<compile_context>
chip_gen: v7x
topology: tpu7x:2x2x1
jax: 0.10.2.dev20260603
libtpu: 0.0.44.dev20260713+nightly
codegen_flags: <defaults>
</compile_context>

<pallas_src>
import functools

import jax
import jax.numpy as jnp
from jax import lax
from jax.experimental import pallas as pl
from jax.experimental.pallas import tpu as pltpu
from jax.experimental.pallas import tpu_sc as plsc

N_NODES = 10000
N_EDGES = 320000
FEAT = 128
N_GRAPHS = 64

NC, NS = 2, 16
NW = NC * NS
EPW = N_EDGES // NW
CH = 80
NCHUNK = EPW // CH
N_PAD = 10240
RPT = N_PAD // NS
ZR = 128
VEC = 16


def _sc_aggr_body(h_hbm, e_hbm, src_hbm, dst_hbm, out_hbm,
                  aggr_sh, src_v, dst_v, xrows_v, erows_v, zero_v, sem):
    cid = lax.axis_index("c")
    sid = lax.axis_index("s")
    wid = cid * NS + sid

    z = jnp.zeros((VEC,), jnp.float32)

    def zrow(r, carry):
        for c in range(FEAT // VEC):
            zero_v[r, pl.ds(c * VEC, VEC)] = z
        return carry
    lax.fori_loop(0, ZR, zrow, 0)

    for k in range(RPT // ZR):
        pltpu.sync_copy(zero_v, aggr_sh.at[pl.ds(sid * RPT + k * ZR, ZR)])
    plsc.subcore_barrier()

    def chunk(t, carry):
        eb = wid * EPW + t * CH
        pltpu.sync_copy(src_hbm.at[pl.ds(eb, CH)], src_v)
        pltpu.sync_copy(dst_hbm.at[pl.ds(eb, CH)], dst_v)
        cp = pltpu.async_copy(h_hbm.at[src_v], xrows_v, sem)
        pltpu.sync_copy(e_hbm.at[pl.ds(eb, CH)], erows_v)
        cp.wait()

        def row(r, c2):
            for c in range(FEAT // VEC):
                sl = pl.ds(c * VEC, VEC)
                erows_v[r, sl] = jnp.maximum(xrows_v[r, sl] + erows_v[r, sl],
                                             0.0)
            return c2
        lax.fori_loop(0, CH, row, 0)

        pltpu.sync_copy(erows_v, aggr_sh.at[dst_v], add=True)
        return carry
    lax.fori_loop(0, NCHUNK, chunk, 0)

    plsc.subcore_barrier()
    pltpu.sync_copy(aggr_sh.at[pl.ds(sid * RPT, RPT)],
                    out_hbm.at[cid, pl.ds(sid * RPT, RPT)])


@functools.cache
def _make_sc_aggr():
    return pl.kernel(
        _sc_aggr_body,
        out_type=jax.ShapeDtypeStruct((NC, N_PAD, FEAT), jnp.float32),
        mesh=plsc.VectorSubcoreMesh(core_axis_name="c", subcore_axis_name="s",
                                    num_cores=NC, num_subcores=NS),
        scratch_types=[
            pltpu.VMEM_SHARED((N_PAD, FEAT), jnp.float32),
            pltpu.VMEM((CH,), jnp.int32),
            pltpu.VMEM((CH,), jnp.int32),
            pltpu.VMEM((CH, FEAT), jnp.float32),
            pltpu.VMEM((CH, FEAT), jnp.float32),
            pltpu.VMEM((ZR, FEAT), jnp.float32),
            pltpu.SemaphoreType.DMA,
        ],
    )


def _sc_aggr(h, e, src, dst):
    return _make_sc_aggr()(h, e, src, dst)[:, :N_NODES, :]


def _edge_mlp_body(ea_ref, w_ref, b_ref, out_ref):
    out_ref[...] = jnp.dot(ea_ref[...], w_ref[...],
                           preferred_element_type=jnp.float32) + b_ref[...]


_EB = 2000


def _edge_mlp(ea, W, b):
    ed = ea.shape[1]
    return pl.pallas_call(
        _edge_mlp_body,
        grid=(N_EDGES // _EB,),
        in_specs=[
            pl.BlockSpec((_EB, ed), lambda i: (i, 0)),
            pl.BlockSpec((ed, FEAT), lambda i: (0, 0)),
            pl.BlockSpec((1, FEAT), lambda i: (0, 0)),
        ],
        out_specs=pl.BlockSpec((_EB, FEAT), lambda i: (i, 0)),
        out_shape=jax.ShapeDtypeStruct((N_EDGES, FEAT), jnp.float32),
    )(ea, W, b.reshape(1, FEAT))


def _node_body(h_ref, a_ref, w_ref, b_ref, out_ref):
    s = h_ref[...] + a_ref[0] + a_ref[1]
    out_ref[...] = jax.nn.gelu(
        jnp.dot(s, w_ref[...], preferred_element_type=jnp.float32)
        + b_ref[...])


_NB = 2000


def _node_update(h, parts, W, b):
    return pl.pallas_call(
        _node_body,
        grid=(N_NODES // _NB,),
        in_specs=[
            pl.BlockSpec((_NB, FEAT), lambda i: (i, 0)),
            pl.BlockSpec((NC, _NB, FEAT), lambda i: (0, i, 0)),
            pl.BlockSpec((FEAT, FEAT), lambda i: (0, 0)),
            pl.BlockSpec((1, FEAT), lambda i: (0, 0)),
        ],
        out_specs=pl.BlockSpec((_NB, FEAT), lambda i: (i, 0)),
        out_shape=jax.ShapeDtypeStruct((N_NODES, FEAT), jnp.float32),
    )(h, parts, W, b.reshape(1, FEAT))


def _head_body(h_ref, batch_ref, w1_ref, b1_ref, w2_ref, b2_ref, out_ref):
    onehot = (batch_ref[...] ==
              lax.broadcasted_iota(jnp.int32, (1, N_GRAPHS), 1)
              ).astype(jnp.float32)
    sums = lax.dot_general(onehot, h_ref[...], (((0,), (0,)), ((), ())),
                           preferred_element_type=jnp.float32)
    counts = jnp.sum(onehot, axis=0)
    pooled = sums / jnp.maximum(counts, 1.0)[:, None]
    t = jax.nn.gelu(jnp.dot(pooled, w1_ref[...],
                            preferred_element_type=jnp.float32) + b1_ref[...])
    out_ref[...] = jnp.dot(t, w2_ref[...],
                           preferred_element_type=jnp.float32) + b2_ref[...]


def _head(h, batch, fc1_W, fc1_b, fc2_W, fc2_b):
    return pl.pallas_call(
        _head_body,
        out_shape=jax.ShapeDtypeStruct((N_GRAPHS, 1), jnp.float32),
    )(h, batch.reshape(N_NODES, 1), fc1_W, fc1_b.reshape(1, 64),
      fc2_W, fc2_b.reshape(1, 1))


def kernel(x, edge_index, batch, edge_attr,
           We0, be0, Wn0, bn0, We1, be1, Wn1, bn1, We2, be2, Wn2, bn2,
           fc1_W, fc1_b, fc2_W, fc2_b):
    src = edge_index[0]
    dst = edge_index[1]
    h = x
    for We, be, Wn, bn in ((We0, be0, Wn0, bn0),
                           (We1, be1, Wn1, bn1),
                           (We2, be2, Wn2, bn2)):
        e = _edge_mlp(edge_attr, We, be)
        parts = _sc_aggr(h, e, src, dst)
        h = _node_update(h, parts, Wn, bn)
    return _head(h, batch, fc1_W, fc1_b, fc2_W, fc2_b)

# --- scband reference (transcript-rebuilt; emitter-appended) ---
"""Pipeline reference for scband-gnn-10660108829435 (READ-ONLY COPY).

The authoritative reference and input builder live on the scoring server;
editing this copy changes nothing except your own understanding.
"""

import jax, jax.numpy as jnp
import numpy as np

N, E, F, ED, H, G = 10000, 320000, 128, 16, 128, 64

def setup_inputs(seed: int = 0):
    key = jax.random.key(seed)
    ks = jax.random.split(key, 24)
    def xavier(k, shape):
        lim = float(np.sqrt(6.0 / (shape[0] + shape[1])))
        return jax.random.uniform(k, shape, dtype=jnp.float32, minval=-lim, maxval=lim)
    inp = {}
    inp["x"] = jax.random.normal(ks[0], (N, F), dtype=jnp.float32)
    inp["edge_index"] = jax.random.randint(ks[1], (2, E), 0, N, dtype=jnp.int32)
    inp["batch"] = jnp.sort(jax.random.randint(ks[2], (N,), 0, G, dtype=jnp.int32))
    inp["edge_attr"] = jax.random.normal(ks[3], (E, ED), dtype=jnp.float32)
    ins = [F, H, H]
    for l in range(3):
        inp[f"We{l}"] = xavier(ks[4 + 4 * l], (ED, ins[l]))
        inp[f"be{l}"] = jnp.zeros((ins[l],), dtype=jnp.float32)
        inp[f"Wn{l}"] = xavier(ks[5 + 4 * l], (ins[l], H))
        inp[f"bn{l}"] = jnp.zeros((H,), dtype=jnp.float32)
    inp["fc1_W"] = xavier(ks[16], (H, 64))
    inp["fc1_b"] = jnp.zeros((64,), dtype=jnp.float32)
    inp["fc2_W"] = xavier(ks[17], (64, 1))
    inp["fc2_b"] = jnp.zeros((1,), dtype=jnp.float32)
    return inp

def _gine(x, ei, ea, We, be, Wn, bn):
    # PyG GINEConv with eps=0: nn((1+eps)*x + sum_j relu(x_j + lin(edge_attr)))
    src, dst = ei[0], ei[1]
    e = ea @ We + be
    msg = jax.nn.relu(x[src] + e)
    aggr = jax.ops.segment_sum(msg, dst, num_segments=x.shape[0])
    return (x + aggr) @ Wn + bn

def reference(x, edge_index, batch, edge_attr, We0, be0, Wn0, bn0, We1, be1, Wn1, bn1, We2, be2, Wn2, bn2, fc1_W, fc1_b, fc2_W, fc2_b):
    h = x
    for (We, be, Wn, bn) in [(We0, be0, Wn0, bn0), (We1, be1, Wn1, bn1), (We2, be2, Wn2, bn2)]:
        h = _gine(h, edge_index, edge_attr, We, be, Wn, bn)
        h = jax.nn.gelu(h)
        # dropout is identity at eval time
    sums = jax.ops.segment_sum(h, batch, num_segments=G)
    counts = jax.ops.segment_sum(jnp.ones((h.shape[0],), dtype=jnp.float32), batch, num_segments=G)
    pooled = sums / jnp.maximum(counts, 1.0)[:, None]
    h = jax.nn.gelu(pooled @ fc1_W + fc1_b)
    return h @ fc2_W + fc2_b

if __name__ == "__main__":
    import jax
    _d = setup_inputs()
    print(jax.jit(kernel)(*tuple(_d.values())))

</pallas_src>

<mosaic_0001>
#map = affine_map<(d0, d1) -> (0, 0)>
#map1 = affine_map<(d0, d1) -> (0)>
#map2 = affine_map<(d0, d1) -> (0, 0, 0)>
module attributes {stable_mosaic.version = 14 : i64} {
  func.func @_sc_aggr_body(%arg0: i32, %arg1: i32, %arg2: memref<10000x128xf32, #tpu.memory_space<hbm>>, %arg3: memref<320000x128xf32, #tpu.memory_space<hbm>>, %arg4: memref<320000xi32, #tpu.memory_space<hbm>>, %arg5: memref<320000xi32, #tpu.memory_space<hbm>>, %arg6: memref<2x10240x128xf32, #tpu.memory_space<hbm>>, %arg7: memref<10240x128xf32, #tpu.memory_space<vmem_shared>>, %arg8: memref<80xi32, #tpu.memory_space<vmem>>, %arg9: memref<80xi32, #tpu.memory_space<vmem>>, %arg10: memref<80x128xf32, #tpu.memory_space<vmem>>, %arg11: memref<80x128xf32, #tpu.memory_space<vmem>>, %arg12: memref<128x128xf32, #tpu.memory_space<vmem>>, %arg13: memref<!tpu.dma_semaphore, #tpu.memory_space<semaphore_mem>>) attributes {dimension_semantics = [#tpu.dimension_semantics<core_parallel>, #tpu.dimension_semantics<subcore_parallel>], iteration_bounds = array<i64: 2, 16>, scalar_prefetch = 0 : i64, scratch_operands = 7 : i64, tpu.core_type = #tpu.core_type<sc_vector_subcore>, window_params = [{transform_indices = #map}, {transform_indices = #map}, {transform_indices = #map1}, {transform_indices = #map1}, {transform_indices = #map2}]} {
    %mul3A = arith.constant 16 : i32
    %mul3A_0 = arith.muli %arg0, %mul3A : i32
    %add3A = arith.addi %mul3A_0, %arg1 : i32
    %broadcast_in_dim3A = arith.constant 0.000000e+00 : f32
    %broadcast_in_dim3A_1 = vector.broadcast %broadcast_in_dim3A : f32 to vector<16xf32>
    %scan3A = arith.constant 0 : i32
    %scan3A_2 = arith.constant 0 : i32
    %scan3A_3 = arith.constant 128 : i32
    %scan3A_4 = arith.addi %scan3A_2, %scan3A_3 : i32
    %scan3A_5 = arith.constant 1 : i32
    scf.for %scan3A_38 = %scan3A_2 to %scan3A_4 step %scan3A_5  : i32 {
      %swap3A = arith.index_cast %scan3A_38 : i32 to index
      %swap3A_39 = arith.constant 0 : index
      %swap3A_40 = tpu.vector_load %arg12[%swap3A, %swap3A_39] {strides = array<i32>} : memref<128x128xf32, #tpu.memory_space<vmem>>, vector<1x16xf32>,
      %swap3A_41 = vector.shape_cast %swap3A_40 : vector<1x16xf32> to vector<16xf32>
      %swap3A_42 = vector.shape_cast %broadcast_in_dim3A_1 : vector<16xf32> to vector<1x16xf32>
      tpu.vector_store %arg12[%swap3A, %swap3A_39], %swap3A_42 {strides = array<i32>} : memref<128x128xf32, #tpu.memory_space<vmem>>, vector<1x16xf32>,
      %swap3A_43 = arith.index_cast %scan3A_38 : i32 to index
      %swap3A_44 = arith.constant 16 : index
      %swap3A_45 = tpu.vector_load %arg12[%swap3A_43, %swap3A_44] {strides = array<i32>} : memref<128x128xf32, #tpu.memory_space<vmem>>, vector<1x16xf32>,
      %swap3A_46 = vector.shape_cast %swap3A_45 : vector<1x16xf32> to vector<16xf32>
      %swap3A_47 = vector.shape_cast %broadcast_in_dim3A_1 : vector<16xf32> to vector<1x16xf32>
      tpu.vector_store %arg12[%swap3A_43, %swap3A_44], %swap3A_47 {strides = array<i32>} : memref<128x128xf32, #tpu.memory_space<vmem>>, vector<1x16xf32>,
      %swap3A_48 = arith.index_cast %scan3A_38 : i32 to index
      %swap3A_49 = arith.constant 32 : index
      %swap3A_50 = tpu.vector_load %arg12[%swap3A_48, %swap3A_49] {strides = array<i32>} : memref<128x128xf32, #tpu.memory_space<vmem>>, vector<1x16xf32>,
      %swap3A_51 = vector.shape_cast %swap3A_50 : vector<1x16xf32> to vector<16xf32>
      %swap3A_52 = vector.shape_cast %broadcast_in_dim3A_1 : vector<16xf32> to vector<1x16xf32>
      tpu.vector_store %arg12[%swap3A_48, %swap3A_49], %swap3A_52 {strides = array<i32>} : memref<128x128xf32, #tpu.memory_space<vmem>>, vector<1x16xf32>,
      %swap3A_53 = arith.index_cast %scan3A_38 : i32 to index
      %swap3A_54 = arith.constant 48 : index
      %swap3A_55 = tpu.vector_load %arg12[%swap3A_53, %swap3A_54] {strides = array<i32>} : memref<128x128xf32, #tpu.memory_space<vmem>>, vector<1x16xf32>,
      %swap3A_56 = vector.shape_cast %swap3A_55 : vector<1x16xf32> to vector<16xf32>
      %swap3A_57 = vector.shape_cast %broadcast_in_dim3A_1 : vector<16xf32> to vector<1x16xf32>
      tpu.vector_store %arg12[%swap3A_53, %swap3A_54], %swap3A_57 {strides = array<i32>} : memref<128x128xf32, #tpu.memory_space<vmem>>, vector<1x16xf32>,
      %swap3A_58 = arith.index_cast %scan3A_38 : i32 to index
      %swap3A_59 = arith.constant 64 : index
      %swap3A_60 = tpu.vector_load %arg12[%swap3A_58, %swap3A_59] {strides = array<i32>} : memref<128x128xf32, #tpu.memory_space<vmem>>, vector<1x16xf32>,
      %swap3A_61 = vector.shape_cast %swap3A_60 : vector<1x16xf32> to vector<16xf32>
      %swap3A_62 = vector.shape_cast %broadcast_in_dim3A_1 : vector<16xf32> to vector<1x16xf32>
      tpu.vector_store %arg12[%swap3A_58, %swap3A_59], %swap3A_62 {strides = array<i32>} : memref<128x128xf32, #tpu.memory_space<vmem>>, vector<1x16xf32>,
      %swap3A_63 = arith.index_cast %scan3A_38 : i32 to index
      %swap3A_64 = arith.constant 80 : index
      %swap3A_65 = tpu.vector_load %arg12[%swap3A_63, %swap3A_64] {strides = array<i32>} : memref<128x128xf32, #tpu.memory_space<vmem>>, vector<1x16xf32>,
      %swap3A_66 = vector.shape_cast %swap3A_65 : vector<1x16xf32> to vector<16xf32>
      %swap3A_67 = vector.shape_cast %broadcast_in_dim3A_1 : vector<16xf32> to vector<1x16xf32>
      tpu.vector_store %arg12[%swap3A_63, %swap3A_64], %swap3A_67 {strides = array<i32>} : memref<128x128xf32, #tpu.memory_space<vmem>>, vector<1x16xf32>,
      %swap3A_68 = arith.index_cast %scan3A_38 : i32 to index
      %swap3A_69 = arith.constant 96 : index
      %swap3A_70 = tpu.vector_load %arg12[%swap3A_68, %swap3A_69] {strides = array<i32>} : memref<128x128xf32, #tpu.memory_space<vmem>>, vector<1x16xf32>,
      %swap3A_71 = vector.shape_cast %swap3A_70 : vector<1x16xf32> to vector<16xf32>
      %swap3A_72 = vector.shape_cast %broadcast_in_dim3A_1 : vector<16xf32> to vector<1x16xf32>
      tpu.vector_store %arg12[%swap3A_68, %swap3A_69], %swap3A_72 {strides = array<i32>} : memref<128x128xf32, #tpu.memory_space<vmem>>, vector<1x16xf32>,
      %swap3A_73 = arith.index_cast %scan3A_38 : i32 to index
      %swap3A_74 = arith.constant 112 : index
      %swap3A_75 = tpu.vector_load %arg12[%swap3A_73, %swap3A_74] {strides = array<i32>} : memref<128x128xf32, #tpu.memory_space<vmem>>, vector<1x16xf32>,
      %swap3A_76 = vector.shape_cast %swap3A_75 : vector<1x16xf32> to vector<16xf32>
      %swap3A_77 = vector.shape_cast %broadcast_in_dim3A_1 : vector<16xf32> to vector<1x16xf32>
      tpu.vector_store %arg12[%swap3A_73, %swap3A_74], %swap3A_77 {strides = array<i32>} : memref<128x128xf32, #tpu.memory_space<vmem>>, vector<1x16xf32>,
    }
    %scan3A_6 = arith.constant 128 : i32
    %mul3A_7 = arith.constant 640 : i32
    %mul3A_8 = arith.muli %arg1, %mul3A_7 : i32
    %add3A_9 = arith.constant 0 : i32
    %add3A_10 = arith.addi %mul3A_8, %add3A_9 : i32
    "tpu.region"() ({
      %run_scoped3A = tpu.sem_alloc : memref<!tpu.dma_semaphore, #tpu.memory_space<semaphore_mem>>
      %dma_start3A = arith.constant 0 : i32
      %dma_start3A_38 = tpu.memref_slice %arg7[%add3A_10, %dma_start3A] : memref<10240x128xf32, #tpu.memory_space<vmem_shared>> -> memref<128x128xf32, #tpu.memory_space<vmem_shared>>
      %dma_start3A_39 = arith.constant 0 : i32
      %dma_start3A_40 = tpu.memref_slice %arg7[%add3A_10, %dma_start3A_39] : memref<10240x128xf32, #tpu.memory_space<vmem_shared>> -> memref<128x128xf32, #tpu.memory_space<vmem_shared>>
      tpu.enqueue_dma source(%arg12 : memref<128x128xf32, #tpu.memory_space<vmem>>) target(%dma_start3A_40 : memref<128x128xf32, #tpu.memory_space<vmem_shared>>) target_semaphore(%run_scoped3A : memref<!tpu.dma_semaphore, #tpu.memory_space<semaphore_mem>>)
      %dma_wait3A = arith.constant 0 : i32
      %dma_wait3A_41 = tpu.memref_slice %arg7[%add3A_10, %dma_wait3A] : memref<10240x128xf32, #tpu.memory_space<vmem_shared>> -> memref<128x128xf32, #tpu.memory_space<vmem_shared>>
      %dma_wait3A_42 = arith.constant 0 : i32
      %dma_wait3A_43 = tpu.memref_slice %arg7[%add3A_10, %dma_wait3A_42] : memref<10240x128xf32, #tpu.memory_space<vmem_shared>> -> memref<128x128xf32, #tpu.memory_space<vmem_shared>>
      tpu.wait_dma2 semaphore(%run_scoped3A : memref<!tpu.dma_semaphore, #tpu.memory_space<semaphore_mem>>) src(%arg12 : memref<128x128xf32, #tpu.memory_space<vmem>>) dst(%dma_wait3A_43 : memref<128x128xf32, #tpu.memory_space<vmem_shared>>)
      tpu.yield
    }) : () -> ()
    %mul3A_11 = arith.constant 640 : i32
    %mul3A_12 = arith.muli %arg1, %mul3A_11 : i32
    %add3A_13 = arith.constant 128 : i32
    %add3A_14 = arith.addi %mul3A_12, %add3A_13 : i32
    "tpu.region"() ({
      %run_scoped3A = tpu.sem_alloc : memref<!tpu.dma_semaphore, #tpu.memory_space<semaphore_mem>>
      %dma_start3A = arith.constant 0 : i32
      %dma_start3A_38 = tpu.memref_slice %arg7[%add3A_14, %dma_start3A] : memref<10240x128xf32, #tpu.memory_space<vmem_shared>> -> memref<128x128xf32, #tpu.memory_space<vmem_shared>>
      %dma_start3A_39 = arith.constant 0 : i32
      %dma_start3A_40 = tpu.memref_slice %arg7[%add3A_14, %dma_start3A_39] : memref<10240x128xf32, #tpu.memory_space<vmem_shared>> -> memref<128x128xf32, #tpu.memory_space<vmem_shared>>
      tpu.enqueue_dma source(%arg12 : memref<128x128xf32, #tpu.memory_space<vmem>>) target(%dma_start3A_40 : memref<128x128xf32, #tpu.memory_space<vmem_shared>>) target_semaphore(%run_scoped3A : memref<!tpu.dma_semaphore, #tpu.memory_space<semaphore_mem>>)
      %dma_wait3A = arith.constant 0 : i32
      %dma_wait3A_41 = tpu.memref_slice %arg7[%add3A_14, %dma_wait3A] : memref<10240x128xf32, #tpu.memory_space<vmem_shared>> -> memref<128x128xf32, #tpu.memory_space<vmem_shared>>
      %dma_wait3A_42 = arith.constant 0 : i32
      %dma_wait3A_43 = tpu.memref_slice %arg7[%add3A_14, %dma_wait3A_42] : memref<10240x128xf32, #tpu.memory_space<vmem_shared>> -> memref<128x128xf32, #tpu.memory_space<vmem_shared>>
      tpu.wait_dma2 semaphore(%run_scoped3A : memref<!tpu.dma_semaphore, #tpu.memory_space<semaphore_mem>>) src(%arg12 : memref<128x128xf32, #tpu.memory_space<vmem>>) dst(%dma_wait3A_43 : memref<128x128xf32, #tpu.memory_space<vmem_shared>>)
      tpu.yield
    }) : () -> ()
    %mul3A_15 = arith.constant 640 : i32
    %mul3A_16 = arith.muli %arg1, %mul3A_15 : i32
    %add3A_17 = arith.constant 256 : i32
    %add3A_18 = arith.addi %mul3A_16, %add3A_17 : i32
    "tpu.region"() ({
      %run_scoped3A = tpu.sem_alloc : memref<!tpu.dma_semaphore, #tpu.memory_space<semaphore_mem>>
      %dma_start3A = arith.constant 0 : i32
      %dma_start3A_38 = tpu.memref_slice %arg7[%add3A_18, %dma_start3A] : memref<10240x128xf32, #tpu.memory_space<vmem_shared>> -> memref<128x128xf32, #tpu.memory_space<vmem_shared>>
      %dma_start3A_39 = arith.constant 0 : i32
      %dma_start3A_40 = tpu.memref_slice %arg7[%add3A_18, %dma_start3A_39] : memref<10240x128xf32, #tpu.memory_space<vmem_shared>> -> memref<128x128xf32, #tpu.memory_space<vmem_shared>>
      tpu.enqueue_dma source(%arg12 : memref<128x128xf32, #tpu.memory_space<vmem>>) target(%dma_start3A_40 : memref<128x128xf32, #tpu.memory_space<vmem_shared>>) target_semaphore(%run_scoped3A : memref<!tpu.dma_semaphore, #tpu.memory_space<semaphore_mem>>)
      %dma_wait3A = arith.constant 0 : i32
      %dma_wait3A_41 = tpu.memref_slice %arg7[%add3A_18, %dma_wait3A] : memref<10240x128xf32, #tpu.memory_space<vmem_shared>> -> memref<128x128xf32, #tpu.memory_space<vmem_shared>>
      %dma_wait3A_42 = arith.constant 0 : i32
      %dma_wait3A_43 = tpu.memref_slice %arg7[%add3A_18, %dma_wait3A_42] : memref<10240x128xf32, #tpu.memory_space<vmem_shared>> -> memref<128x128xf32, #tpu.memory_space<vmem_shared>>
      tpu.wait_dma2 semaphore(%run_scoped3A : memref<!tpu.dma_semaphore, #tpu.memory_space<semaphore_mem>>) src(%arg12 : memref<128x128xf32, #tpu.memory_space<vmem>>) dst(%dma_wait3A_43 : memref<128x128xf32, #tpu.memory_space<vmem_shared>>)
      tpu.yield
    }) : () -> ()
    %mul3A_19 = arith.constant 640 : i32
    %mul3A_20 = arith.muli %arg1, %mul3A_19 : i32
    %add3A_21 = arith.constant 384 : i32
    %add3A_22 = arith.addi %mul3A_20, %add3A_21 : i32
    "tpu.region"() ({
      %run_scoped3A = tpu.sem_alloc : memref<!tpu.dma_semaphore, #tpu.memory_space<semaphore_mem>>
      %dma_start3A = arith.constant 0 : i32
      %dma_start3A_38 = tpu.memref_slice %arg7[%add3A_22, %dma_start3A] : memref<10240x128xf32, #tpu.memory_space<vmem_shared>> -> memref<128x128xf32, #tpu.memory_space<vmem_shared>>
      %dma_start3A_39 = arith.constant 0 : i32
      %dma_start3A_40 = tpu.memref_slice %arg7[%add3A_22, %dma_start3A_39] : memref<10240x128xf32, #tpu.memory_space<vmem_shared>> -> memref<128x128xf32, #tpu.memory_space<vmem_shared>>
      tpu.enqueue_dma source(%arg12 : memref<128x128xf32, #tpu.memory_space<vmem>>) target(%dma_start3A_40 : memref<128x128xf32, #tpu.memory_space<vmem_shared>>) target_semaphore(%run_scoped3A : memref<!tpu.dma_semaphore, #tpu.memory_space<semaphore_mem>>)
      %dma_wait3A = arith.constant 0 : i32
      %dma_wait3A_41 = tpu.memref_slice %arg7[%add3A_22, %dma_wait3A] : memref<10240x128xf32, #tpu.memory_space<vmem_shared>> -> memref<128x128xf32, #tpu.memory_space<vmem_shared>>
      %dma_wait3A_42 = arith.constant 0 : i32
      %dma_wait3A_43 = tpu.memref_slice %arg7[%add3A_22, %dma_wait3A_42] : memref<10240x128xf32, #tpu.memory_space<vmem_shared>> -> memref<128x128xf32, #tpu.memory_space<vmem_shared>>
      tpu.wait_dma2 semaphore(%run_scoped3A : memref<!tpu.dma_semaphore, #tpu.memory_space<semaphore_mem>>) src(%arg12 : memref<128x128xf32, #tpu.memory_space<vmem>>) dst(%dma_wait3A_43 : memref<128x128xf32, #tpu.memory_space<vmem_shared>>)
      tpu.yield
    }) : () -> ()
    %mul3A_23 = arith.constant 640 : i32
    %mul3A_24 = arith.muli %arg1, %mul3A_23 : i32
    %add3A_25 = arith.constant 512 : i32
    %add3A_26 = arith.addi %mul3A_24, %add3A_25 : i32
    "tpu.region"() ({
      %run_scoped3A = tpu.sem_alloc : memref<!tpu.dma_semaphore, #tpu.memory_space<semaphore_mem>>
      %dma_start3A = arith.constant 0 : i32
      %dma_start3A_38 = tpu.memref_slice %arg7[%add3A_26, %dma_start3A] : memref<10240x128xf32, #tpu.memory_space<vmem_shared>> -> memref<128x128xf32, #tpu.memory_space<vmem_shared>>
      %dma_start3A_39 = arith.constant 0 : i32
      %dma_start3A_40 = tpu.memref_slice %arg7[%add3A_26, %dma_start3A_39] : memref<10240x128xf32, #tpu.memory_space<vmem_shared>> -> memref<128x128xf32, #tpu.memory_space<vmem_shared>>
      tpu.enqueue_dma source(%arg12 : memref<128x128xf32, #tpu.memory_space<vmem>>) target(%dma_start3A_40 : memref<128x128xf32, #tpu.memory_space<vmem_shared>>) target_semaphore(%run_scoped3A : memref<!tpu.dma_semaphore, #tpu.memory_space<semaphore_mem>>)
      %dma_wait3A = arith.constant 0 : i32
      %dma_wait3A_41 = tpu.memref_slice %arg7[%add3A_26, %dma_wait3A] : memref<10240x128xf32, #tpu.memory_space<vmem_shared>> -> memref<128x128xf32, #tpu.memory_space<vmem_shared>>
      %dma_wait3A_42 = arith.constant 0 : i32
      %dma_wait3A_43 = tpu.memref_slice %arg7[%add3A_26, %dma_wait3A_42] : memref<10240x128xf32, #tpu.memory_space<vmem_shared>> -> memref<128x128xf32, #tpu.memory_space<vmem_shared>>
      tpu.wait_dma2 semaphore(%run_scoped3A : memref<!tpu.dma_semaphore, #tpu.memory_space<semaphore_mem>>) src(%arg12 : memref<128x128xf32, #tpu.memory_space<vmem>>) dst(%dma_wait3A_43 : memref<128x128xf32, #tpu.memory_space<vmem_shared>>)
      tpu.yield
    }) : () -> ()
    %barrier3A = arith.constant 0 : index
    tpu.barrier barrier_id(%barrier3A)
    %scan3A_27 = arith.constant 0 : i32
    %scan3A_28 = arith.constant 0 : i32
    %scan3A_29 = arith.constant 125 : i32
    %scan3A_30 = arith.addi %scan3A_28, %scan3A_29 : i32
    %scan3A_31 = arith.constant 1 : i32
    scf.for %scan3A_38 = %scan3A_28 to %scan3A_30 step %scan3A_31  : i32 {
      %mul3A_39 = arith.constant 10000 : i32
      %mul3A_40 = arith.muli %add3A, %mul3A_39 : i32
      %mul3A_41 = arith.constant 80 : i32
      %mul3A_42 = arith.muli %scan3A_38, %mul3A_41 : i32
      %add3A_43 = arith.addi %mul3A_40, %mul3A_42 : i32
      "tpu.region"() ({
        %run_scoped3A = tpu.sem_alloc : memref<!tpu.dma_semaphore, #tpu.memory_space<semaphore_mem>>
        %dma_start3A_54 = tpu.memref_slice %arg4[%add3A_43] : memref<320000xi32, #tpu.memory_space<hbm>> -> memref<80xi32, #tpu.memory_space<hbm>>
        %dma_start3A_55 = tpu.memref_slice %arg4[%add3A_43] : memref<320000xi32, #tpu.memory_space<hbm>> -> memref<80xi32, #tpu.memory_space<hbm>>
        tpu.enqueue_dma source(%dma_start3A_55 : memref<80xi32, #tpu.memory_space<hbm>>) target(%arg8 : memref<80xi32, #tpu.memory_space<vmem>>) target_semaphore(%run_scoped3A : memref<!tpu.dma_semaphore, #tpu.memory_space<semaphore_mem>>)
        %dma_wait3A_56 = tpu.memref_slice %arg4[%add3A_43] : memref<320000xi32, #tpu.memory_space<hbm>> -> memref<80xi32, #tpu.memory_space<hbm>>
        %dma_wait3A_57 = tpu.memref_slice %arg4[%add3A_43] : memref<320000xi32, #tpu.memory_space<hbm>> -> memref<80xi32, #tpu.memory_space<hbm>>
        tpu.wait_dma2 semaphore(%run_scoped3A : memref<!tpu.dma_semaphore, #tpu.memory_space<semaphore_mem>>) src(%dma_wait3A_57 : memref<80xi32, #tpu.memory_space<hbm>>) dst(%arg8 : memref<80xi32, #tpu.memory_space<vmem>>)
        tpu.yield
      }) : () -> ()
      "tpu.region"() ({
        %run_scoped3A = tpu.sem_alloc : memref<!tpu.dma_semaphore, #tpu.memory_space<semaphore_mem>>
        %dma_start3A_54 = tpu.memref_slice %arg5[%add3A_43] : memref<320000xi32, #tpu.memory_space<hbm>> -> memref<80xi32, #tpu.memory_space<hbm>>
        %dma_start3A_55 = tpu.memref_slice %arg5[%add3A_43] : memref<320000xi32, #tpu.memory_space<hbm>> -> memref<80xi32, #tpu.memory_space<hbm>>
        tpu.enqueue_dma source(%dma_start3A_55 : memref<80xi32, #tpu.memory_space<hbm>>) target(%arg9 : memref<80xi32, #tpu.memory_space<vmem>>) target_semaphore(%run_scoped3A : memref<!tpu.dma_semaphore, #tpu.memory_space<semaphore_mem>>)
        %dma_wait3A_56 = tpu.memref_slice %arg5[%add3A_43] : memref<320000xi32, #tpu.memory_space<hbm>> -> memref<80xi32, #tpu.memory_space<hbm>>
        %dma_wait3A_57 = tpu.memref_slice %arg5[%add3A_43] : memref<320000xi32, #tpu.memory_space<hbm>> -> memref<80xi32, #tpu.memory_space<hbm>>
        tpu.wait_dma2 semaphore(%run_scoped3A : memref<!tpu.dma_semaphore, #tpu.memory_space<semaphore_mem>>) src(%dma_wait3A_57 : memref<80xi32, #tpu.memory_space<hbm>>) dst(%arg9 : memref<80xi32, #tpu.memory_space<vmem>>)
        tpu.yield
      }) : () -> ()
      %dma_start3A = arith.constant 0 : i32
      %dma_start3A_44 = arith.constant 0 : i32
      %dma_start3A_45 = tpu.memref_slice %arg2[%dma_start3A, %dma_start3A_44] : memref<10000x128xf32, #tpu.memory_space<hbm>> -> memref<10000x128xf32, #tpu.memory_space<hbm>>
      tpu.enqueue_indirect_dma source(%dma_start3A_45 : memref<10000x128xf32, #tpu.memory_space<hbm>>) target(%arg10 : memref<80x128xf32, #tpu.memory_space<vmem>>) offsets(%arg8 : memref<80xi32, #tpu.memory_space<vmem>>) semaphore(%arg13 : memref<!tpu.dma_semaphore, #tpu.memory_space<semaphore_mem>>)
      "tpu.region"() ({
        %run_scoped3A = tpu.sem_alloc : memref<!tpu.dma_semaphore, #tpu.memory_space<semaphore_mem>>
        %dma_start3A_54 = arith.constant 0 : i32
        %dma_start3A_55 = tpu.memref_slice %arg3[%add3A_43, %dma_start3A_54] : memref<320000x128xf32, #tpu.memory_space<hbm>> -> memref<80x128xf32, #tpu.memory_space<hbm>>
        %dma_start3A_56 = arith.constant 0 : i32
        %dma_start3A_57 = tpu.memref_slice %arg3[%add3A_43, %dma_start3A_56] : memref<320000x128xf32, #tpu.memory_space<hbm>> -> memref<80x128xf32, #tpu.memory_space<hbm>>
        tpu.enqueue_dma source(%dma_start3A_57 : memref<80x128xf32, #tpu.memory_space<hbm>>) target(%arg11 : memref<80x128xf32, #tpu.memory_space<vmem>>) target_semaphore(%run_scoped3A : memref<!tpu.dma_semaphore, #tpu.memory_space<semaphore_mem>>)
        %dma_wait3A_58 = arith.constant 0 : i32
        %dma_wait3A_59 = tpu.memref_slice %arg3[%add3A_43, %dma_wait3A_58] : memref<320000x128xf32, #tpu.memory_space<hbm>> -> memref<80x128xf32, #tpu.memory_space<hbm>>
        %dma_wait3A_60 = arith.constant 0 : i32
        %dma_wait3A_61 = tpu.memref_slice %arg3[%add3A_43, %dma_wait3A_60] : memref<320000x128xf32, #tpu.memory_space<hbm>> -> memref<80x128xf32, #tpu.memory_space<hbm>>
        tpu.wait_dma2 semaphore(%run_scoped3A : memref<!tpu.dma_semaphore, #tpu.memory_space<semaphore_mem>>) src(%dma_wait3A_61 : memref<80x128xf32, #tpu.memory_space<hbm>>) dst(%arg11 : memref<80x128xf32, #tpu.memory_space<vmem>>)
        tpu.yield
      }) : () -> ()
      %dma_wait3A = arith.constant 0 : i32
      %dma_wait3A_46 = arith.constant 0 : i32
      %dma_wait3A_47 = tpu.memref_slice %arg2[%dma_wait3A, %dma_wait3A_46] : memref<10000x128xf32, #tpu.memory_space<hbm>> -> memref<10000x128xf32, #tpu.memory_space<hbm>>
      tpu.wait_indirect_dma semaphore(%arg13 : memref<!tpu.dma_semaphore, #tpu.memory_space<semaphore_mem>>) src(%dma_wait3A_47 : memref<10000x128xf32, #tpu.memory_space<hbm>>) dst(%arg10 : memref<80x128xf32, #tpu.memory_space<vmem>>)
      %scan3A_48 = arith.constant 0 : i32
      %scan3A_49 = arith.constant 0 : i32
      %scan3A_50 = arith.constant 80 : i32
      %scan3A_51 = arith.addi %scan3A_49, %scan3A_50 : i32
      %scan3A_52 = arith.constant 1 : i32
      scf.for %scan3A_54 = %scan3A_49 to %scan3A_51 step %scan3A_52  : i32 {
        %get3A = arith.index_cast %scan3A_54 : i32 to index
        %get3A_55 = arith.constant 0 : index
        %get3A_56 = tpu.vector_load %arg10[%get3A, %get3A_55] {strides = array<i32>} : memref<80x128xf32, #tpu.memory_space<vmem>>, vector<1x16xf32>,
        %get3A_57 = vector.shape_cast %get3A_56 : vector<1x16xf32> to vector<16xf32>
        %get3A_58 = arith.index_cast %scan3A_54 : i32 to index
        %get3A_59 = arith.constant 0 : index
        %get3A_60 = tpu.vector_load %arg11[%get3A_58, %get3A_59] {strides = array<i32>} : memref<80x128xf32, #tpu.memory_space<vmem>>, vector<1x16xf32>,
        %get3A_61 = vector.shape_cast %get3A_60 : vector<1x16xf32> to vector<16xf32>
        %add3A_62 = arith.addf %get3A_57, %get3A_61 : vector<16xf32>
        %max3A = arith.constant 0.000000e+00 : f32
        %max3A_63 = vector.broadcast %max3A : f32 to vector<16xf32>
        %max3A_64 = arith.maximumf %add3A_62, %max3A_63 : vector<16xf32>
        %swap3A = arith.index_cast %scan3A_54 : i32 to index
        %swap3A_65 = arith.constant 0 : index
        %swap3A_66 = tpu.vector_load %arg11[%swap3A, %swap3A_65] {strides = array<i32>} : memref<80x128xf32, #tpu.memory_space<vmem>>, vector<1x16xf32>,
        %swap3A_67 = vector.shape_cast %swap3A_66 : vector<1x16xf32> to vector<16xf32>
        %swap3A_68 = vector.shape_cast %max3A_64 : vector<16xf32> to vector<1x16xf32>
        tpu.vector_store %arg11[%swap3A, %swap3A_65], %swap3A_68 {strides = array<i32>} : memref<80x128xf32, #tpu.memory_space<vmem>>, vector<1x16xf32>,
        %get3A_69 = arith.index_cast %scan3A_54 : i32 to index
        %get3A_70 = arith.constant 16 : index
        %get3A_71 = tpu.vector_load %arg10[%get3A_69, %get3A_70] {strides = array<i32>} : memref<80x128xf32, #tpu.memory_space<vmem>>, vector<1x16xf32>,
        %get3A_72 = vector.shape_cast %get3A_71 : vector<1x16xf32> to vector<16xf32>
        %get3A_73 = arith.index_cast %scan3A_54 : i32 to index
        %get3A_74 = arith.constant 16 : index
        %get3A_75 = tpu.vector_load %arg11[%get3A_73, %get3A_74] {strides = array<i32>} : memref<80x128xf32, #tpu.memory_space<vmem>>, vector<1x16xf32>,
        %get3A_76 = vector.shape_cast %get3A_75 : vector<1x16xf32> to vector<16xf32>
        %add3A_77 = arith.addf %get3A_72, %get3A_76 : vector<16xf32>
        %max3A_78 = arith.constant 0.000000e+00 : f32
        %max3A_79 = vector.broadcast %max3A_78 : f32 to vector<16xf32>
        %max3A_80 = arith.maximumf %add3A_77, %max3A_79 : vector<16xf32>
        %swap3A_81 = arith.index_cast %scan3A_54 : i32 to index
        %swap3A_82 = arith.constant 16 : index
        %swap3A_83 = tpu.vector_load %arg11[%swap3A_81, %swap3A_82] {strides = array<i32>} : memref<80x128xf32, #tpu.memory_space<vmem>>, vector<1x16xf32>,
        %swap3A_84 = vector.shape_cast %swap3A_83 : vector<1x16xf32> to vector<16xf32>
        %swap3A_85 = vector.shape_cast %max3A_80 : vector<16xf32> to vector<1x16xf32>
        tpu.vector_store %arg11[%swap3A_81, %swap3A_82], %swap3A_85 {strides = array<i32>} : memref<80x128xf32, #tpu.memory_space<vmem>>, vector<1x16xf32>,
        %get3A_86 = arith.index_cast %scan3A_54 : i32 to index
        %get3A_87 = arith.constant 32 : index
        %get3A_88 = tpu.vector_load %arg10[%get3A_86, %get3A_87] {strides = array<i32>} : memref<80x128xf32, #tpu.memory_space<vmem>>, vector<1x16xf32>,
        %get3A_89 = vector.shape_cast %get3A_88 : vector<1x16xf32> to vector<16xf32>
        %get3A_90 = arith.index_cast %scan3A_54 : i32 to index
        %get3A_91 = arith.constant 32 : index
        %get3A_92 = tpu.vector_load %arg11[%get3A_90, %get3A_91] {strides = array<i32>} : memref<80x128xf32, #tpu.memory_space<vmem>>, vector<1x16xf32>,
        %get3A_93 = vector.shape_cast %get3A_92 : vector<1x16xf32> to vector<16xf32>
        %add3A_94 = arith.addf %get3A_89, %get3A_93 : vector<16xf32>
        %max3A_95 = arith.constant 0.000000e+00 : f32
        %max3A_96 = vector.broadcast %max3A_95 : f32 to vector<16xf32>
        %max3A_97 = arith.maximumf %add3A_94, %max3A_96 : vector<16xf32>
        %swap3A_98 = arith.index_cast %scan3A_54 : i32 to index
        %swap3A_99 = arith.constant 32 : index
        %swap3A_100 = tpu.vector_load %arg11[%swap3A_98, %swap3A_99] {strides = array<i32>} : memref<80x128xf32, #tpu.memory_space<vmem>>, vector<1x16xf32>,
        %swap3A_101 = vector.shape_cast %swap3A_100 : vector<1x16xf32> to vector<16xf32>
        %swap3A_102 = vector.shape_cast %max3A_97 : vector<16xf32> to vector<1x16xf32>
        tpu.vector_store %arg11[%swap3A_98, %swap3A_99], %swap3A_102 {strides = array<i32>} : memref<80x128xf32, #tpu.memory_space<vmem>>, vector<1x16xf32>,
        %get3A_103 = arith.index_cast %scan3A_54 : i32 to index
        %get3A_104 = arith.constant 48 : index
        %get3A_105 = tpu.vector_load %arg10[%get3A_103, %get3A_104] {strides = array<i32>} : memref<80x128xf32, #tpu.memory_space<vmem>>, vector<1x16xf32>,
        %get3A_106 = vector.shape_cast %get3A_105 : vector<1x16xf32> to vector<16xf32>
        %get3A_107 = arith.index_cast %scan3A_54 : i32 to index
        %get3A_108 = arith.constant 48 : index
        %get3A_109 = tpu.vector_load %arg11[%get3A_107, %get3A_108] {strides = array<i32>} : memref<80x128xf32, #tpu.memory_space<vmem>>, vector<1x16xf32>,
        %get3A_110 = vector.shape_cast %get3A_109 : vector<1x16xf32> to vector<16xf32>
        %add3A_111 = arith.addf %get3A_106, %get3A_110 : vector<16xf32>
        %max3A_112 = arith.constant 0.000000e+00 : f32
        %max3A_113 = vector.broadcast %max3A_112 : f32 to vector<16xf32>
        %max3A_114 = arith.maximumf %add3A_111, %max3A_113 : vector<16xf32>
        %swap3A_115 = arith.index_cast %scan3A_54 : i32 to index
        %swap3A_116 = arith.constant 48 : index
        %swap3A_117 = tpu.vector_load %arg11[%swap3A_115, %swap3A_116] {strides = array<i32>} : memref<80x128xf32, #tpu.memory_space<vmem>>, vector<1x16xf32>,
        %swap3A_118 = vector.shape_cast %swap3A_117 : vector<1x16xf32> to vector<16xf32>
        %swap3A_119 = vector.shape_cast %max3A_114 : vector<16xf32> to vector<1x16xf32>
        tpu.vector_store %arg11[%swap3A_115, %swap3A_116], %swap3A_119 {strides = array<i32>} : memref<80x128xf32, #tpu.memory_space<vmem>>, vector<1x16xf32>,
        %get3A_120 = arith.index_cast %scan3A_54 : i32 to index
        %get3A_121 = arith.constant 64 : index
        %get3A_122 = tpu.vector_load %arg10[%get3A_120, %get3A_121] {strides = array<i32>} : memref<80x128xf32, #tpu.memory_space<vmem>>, vector<1x16xf32>,
        %get3A_123 = vector.shape_cast %get3A_122 : vector<1x16xf32> to vector<16xf32>
        %get3A_124 = arith.index_cast %scan3A_54 : i32 to index
        %get3A_125 = arith.constant 64 : index
        %get3A_126 = tpu.vector_load %arg11[%get3A_124, %get3A_125] {strides = array<i32>} : memref<80x128xf32, #tpu.memory_space<vmem>>, vector<1x16xf32>,
        %get3A_127 = vector.shape_cast %get3A_126 : vector<1x16xf32> to vector<16xf32>
        %add3A_128 = arith.addf %get3A_123, %get3A_127 : vector<16xf32>
        %max3A_129 = arith.constant 0.000000e+00 : f32
        %max3A_130 = vector.broadcast %max3A_129 : f32 to vector<16xf32>
        %max3A_131 = arith.maximumf %add3A_128, %max3A_130 : vector<16xf32>
        %swap3A_132 = arith.index_cast %scan3A_54 : i32 to index
        %swap3A_133 = arith.constant 64 : index
        %swap3A_134 = tpu.vector_load %arg11[%swap3A_132, %swap3A_133] {strides = array<i32>} : memref<80x128xf32, #tpu.memory_space<vmem>>, vector<1x16xf32>,
        %swap3A_135 = vector.shape_cast %swap3A_134 : vector<1x16xf32> to vector<16xf32>
        %swap3A_136 = vector.shape_cast %max3A_131 : vector<16xf32> to vector<1x16xf32>
        tpu.vector_store %arg11[%swap3A_132, %swap3A_133], %swap3A_136 {strides = array<i32>} : memref<80x128xf32, #tpu.memory_space<vmem>>, vector<1x16xf32>,
        %get3A_137 = arith.index_cast %scan3A_54 : i32 to index
        %get3A_138 = arith.constant 80 : index
        %get3A_139 = tpu.vector_load %arg10[%get3A_137, %get3A_138] {strides = array<i32>} : memref<80x128xf32, #tpu.memory_space<vmem>>, vector<1x16xf32>,
        %get3A_140 = vector.shape_cast %get3A_139 : vector<1x16xf32> to vector<16xf32>
        %get3A_141 = arith.index_cast %scan3A_54 : i32 to index
        %get3A_142 = arith.constant 80 : index
        %get3A_143 = tpu.vector_load %arg11[%get3A_141, %get3A_142] {strides = array<i32>} : memref<80x128xf32, #tpu.memory_space<vmem>>, vector<1x16xf32>,
        %get3A_144 = vector.shape_cast %get3A_143 : vector<1x16xf32> to vector<16xf32>
        %add3A_145 = arith.addf %get3A_140, %get3A_144 : vector<16xf32>
        %max3A_146 = arith.constant 0.000000e+00 : f32
        %max3A_147 = vector.broadcast %max3A_146 : f32 to vector<16xf32>
        %max3A_148 = arith.maximumf %add3A_145, %max3A_147 : vector<16xf32>
        %swap3A_149 = arith.index_cast %scan3A_54 : i32 to index
        %swap3A_150 = arith.constant 80 : index
        %swap3A_151 = tpu.vector_load %arg11[%swap3A_149, %swap3A_150] {strides = array<i32>} : memref<80x128xf32, #tpu.memory_space<vmem>>, vector<1x16xf32>,
        %swap3A_152 = vector.shape_cast %swap3A_151 : vector<1x16xf32> to vector<16xf32>
        %swap3A_153 = vector.shape_cast %max3A_148 : vector<16xf32> to vector<1x16xf32>
        tpu.vector_store %arg11[%swap3A_149, %swap3A_150], %swap3A_153 {strides = array<i32>} : memref<80x128xf32, #tpu.memory_space<vmem>>, vector<1x16xf32>,
        %get3A_154 = arith.index_cast %scan3A_54 : i32 to index
        %get3A_155 = arith.constant 96 : index
        %get3A_156 = tpu.vector_load %arg10[%get3A_154, %get3A_155] {strides = array<i32>} : memref<80x128xf32, #tpu.memory_space<vmem>>, vector<1x16xf32>,
        %get3A_157 = vector.shape_cast %get3A_156 : vector<1x16xf32> to vector<16xf32>
        %get3A_158 = arith.index_cast %scan3A_54 : i32 to index
        %get3A_159 = arith.constant 96 : index
        %get3A_160 = tpu.vector_load %arg11[%get3A_158, %get3A_159] {strides = array<i32>} : memref<80x128xf32, #tpu.memory_space<vmem>>, vector<1x16xf32>,
        %get3A_161 = vector.shape_cast %get3A_160 : vector<1x16xf32> to vector<16xf32>
        %add3A_162 = arith.addf %get3A_157, %get3A_161 : vector<16xf32>
        %max3A_163 = arith.constant 0.000000e+00 : f32
        %max3A_164 = vector.broadcast %max3A_163 : f32 to vector<16xf32>
        %max3A_165 = arith.maximumf %add3A_162, %max3A_164 : vector<16xf32>
        %swap3A_166 = arith.index_cast %scan3A_54 : i32 to index
        %swap3A_167 = arith.constant 96 : index
        %swap3A_168 = tpu.vector_load %arg11[%swap3A_166, %swap3A_167] {strides = array<i32>} : memref<80x128xf32, #tpu.memory_space<vmem>>, vector<1x16xf32>,
        %swap3A_169 = vector.shape_cast %swap3A_168 : vector<1x16xf32> to vector<16xf32>
        %swap3A_170 = vector.shape_cast %max3A_165 : vector<16xf32> to vector<1x16xf32>
        tpu.vector_store %arg11[%swap3A_166, %swap3A_167], %swap3A_170 {strides = array<i32>} : memref<80x128xf32, #tpu.memory_space<vmem>>, vector<1x16xf32>,
        %get3A_171 = arith.index_cast %scan3A_54 : i32 to index
        %get3A_172 = arith.constant 112 : index
        %get3A_173 = tpu.vector_load %arg10[%get3A_171, %get3A_172] {strides = array<i32>} : memref<80x128xf32, #tpu.memory_space<vmem>>, vector<1x16xf32>,
        %get3A_174 = vector.shape_cast %get3A_173 : vector<1x16xf32> to vector<16xf32>
        %get3A_175 = arith.index_cast %scan3A_54 : i32 to index
        %get3A_176 = arith.constant 112 : index
        %get3A_177 = tpu.vector_load %arg11[%get3A_175, %get3A_176] {strides = array<i32>} : memref<80x128xf32, #tpu.memory_space<vmem>>, vector<1x16xf32>,
        %get3A_178 = vector.shape_cast %get3A_177 : vector<1x16xf32> to vector<16xf32>
        %add3A_179 = arith.addf %get3A_174, %get3A_178 : vector<16xf32>
        %max3A_180 = arith.constant 0.000000e+00 : f32
        %max3A_181 = vector.broadcast %max3A_180 : f32 to vector<16xf32>
        %max3A_182 = arith.maximumf %add3A_179, %max3A_181 : vector<16xf32>
        %swap3A_183 = arith.index_cast %scan3A_54 : i32 to index
        %swap3A_184 = arith.constant 112 : index
        %swap3A_185 = tpu.vector_load %arg11[%swap3A_183, %swap3A_184] {strides = array<i32>} : memref<80x128xf32, #tpu.memory_space<vmem>>, vector<1x16xf32>,
        %swap3A_186 = vector.shape_cast %swap3A_185 : vector<1x16xf32> to vector<16xf32>
        %swap3A_187 = vector.shape_cast %max3A_182 : vector<16xf32> to vector<1x16xf32>
        tpu.vector_store %arg11[%swap3A_183, %swap3A_184], %swap3A_187 {strides = array<i32>} : memref<80x128xf32, #tpu.memory_space<vmem>>, vector<1x16xf32>,
      }
      %scan3A_53 = arith.constant 80 : i32
      "tpu.region"() ({
        %run_scoped3A = tpu.sem_alloc : memref<!tpu.dma_semaphore, #tpu.memory_space<semaphore_mem>>
        %dma_start3A_54 = arith.constant 0 : i32
        %dma_start3A_55 = arith.constant 0 : i32
        %dma_start3A_56 = tpu.memref_slice %arg7[%dma_start3A_54, %dma_start3A_55] : memref<10240x128xf32, #tpu.memory_space<vmem_shared>> -> memref<10240x128xf32, #tpu.memory_space<vmem_shared>>
        tpu.enqueue_indirect_dma source(%arg11 : memref<80x128xf32, #tpu.memory_space<vmem>>) target(%dma_start3A_56 : memref<10240x128xf32, #tpu.memory_space<vmem_shared>>) offsets(%arg9 : memref<80xi32, #tpu.memory_space<vmem>>) semaphore(%run_scoped3A : memref<!tpu.dma_semaphore, #tpu.memory_space<semaphore_mem>>) {add = true}
        %dma_wait3A_57 = arith.constant 0 : i32
        %dma_wait3A_58 = arith.constant 0 : i32
        %dma_wait3A_59 = tpu.memref_slice %arg7[%dma_wait3A_57, %dma_wait3A_58] : memref<10240x128xf32, #tpu.memory_space<vmem_shared>> -> memref<10240x128xf32, #tpu.memory_space<vmem_shared>>
        tpu.wait_indirect_dma semaphore(%run_scoped3A : memref<!tpu.dma_semaphore, #tpu.memory_space<semaphore_mem>>) src(%arg11 : memref<80x128xf32, #tpu.memory_space<vmem>>) dst(%dma_wait3A_59 : memref<10240x128xf32, #tpu.memory_space<vmem_shared>>)
        tpu.yield
      }) : () -> ()
    }
    %scan3A_32 = arith.constant 125 : i32
    %barrier3A_33 = arith.constant 0 : index
    tpu.barrier barrier_id(%barrier3A_33)
    %mul3A_34 = arith.constant 640 : i32
    %mul3A_35 = arith.muli %arg1, %mul3A_34 : i32
    %mul3A_36 = arith.constant 640 : i32
    %mul3A_37 = arith.muli %arg1, %mul3A_36 : i32
    "tpu.region"() ({
      %run_scoped3A = tpu.sem_alloc : memref<!tpu.dma_semaphore, #tpu.memory_space<semaphore_mem>>
      %dma_start3A = arith.constant 0 : i32
      %dma_start3A_38 = tpu.memref_slice %arg6[%arg0, %mul3A_37, %dma_start3A] : memref<2x10240x128xf32, #tpu.memory_space<hbm>> -> memref<1x640x128xf32, #tpu.memory_space<hbm>>
      %dma_start3A_39 = tpu.memref_squeeze %dma_start3A_38 : memref<1x640x128xf32, #tpu.memory_space<hbm>> -> memref<640x128xf32, #tpu.memory_space<hbm>>
      %dma_start3A_40 = arith.constant 0 : i32
      %dma_start3A_41 = tpu.memref_slice %arg7[%mul3A_35, %dma_start3A_40] : memref<10240x128xf32, #tpu.memory_space<vmem_shared>> -> memref<640x128xf32, #tpu.memory_space<vmem_shared>>
      tpu.enqueue_dma source(%dma_start3A_41 : memref<640x128xf32, #tpu.memory_space<vmem_shared>>) target(%dma_start3A_39 : memref<640x128xf32, #tpu.memory_space<hbm>>) target_semaphore(%run_scoped3A : memref<!tpu.dma_semaphore, #tpu.memory_space<semaphore_mem>>)
      %dma_wait3A = arith.constant 0 : i32
      %dma_wait3A_42 = tpu.memref_slice %arg6[%arg0, %mul3A_37, %dma_wait3A] : memref<2x10240x128xf32, #tpu.memory_space<hbm>> -> memref<1x640x128xf32, #tpu.memory_space<hbm>>
      %dma_wait3A_43 = tpu.memref_squeeze %dma_wait3A_42 : memref<1x640x128xf32, #tpu.memory_space<hbm>> -> memref<640x128xf32, #tpu.memory_space<hbm>>
      %dma_wait3A_44 = arith.constant 0 : i32
      %dma_wait3A_45 = tpu.memref_slice %arg7[%mul3A_35, %dma_wait3A_44] : memref<10240x128xf32, #tpu.memory_space<vmem_shared>> -> memref<640x128xf32, #tpu.memory_space<vmem_shared>>
      tpu.wait_dma2 semaphore(%run_scoped3A : memref<!tpu.dma_semaphore, #tpu.memory_space<semaphore_mem>>) src(%dma_wait3A_45 : memref<640x128xf32, #tpu.memory_space<vmem_shared>>) dst(%dma_wait3A_43 : memref<640x128xf32, #tpu.memory_space<hbm>>)
      tpu.yield
    }) : () -> ()
    return
  }
}

#map = affine_map<(d0, d1) -> (0, 0)>
#map1 = affine_map<(d0, d1) -> (0)>
#map2 = affine_map<(d0, d1) -> (0, 0, 0)>
module attributes {stable_mosaic.version = 14 : i64} {
  func.func @_sc_aggr_body(%arg0: i32, %arg1: i32, %arg2: memref<10000x128xf32, #tpu.memory_space<hbm>>, %arg3: memref<320000x128xf32, #tpu.memory_space<hbm>>, %arg4: memref<320000xi32, #tpu.memory_space<hbm>>, %arg5: memref<320000xi32, #tpu.memory_space<hbm>>, %arg6: memref<2x10240x128xf32, #tpu.memory_space<hbm>>, %arg7: memref<10240x128xf32, #tpu.memory_space<vmem_shared>>, %arg8: memref<80xi32, #tpu.memory_space<vmem>>, %arg9: memref<80xi32, #tpu.memory_space<vmem>>, %arg10: memref<80x128xf32, #tpu.memory_space<vmem>>, %arg11: memref<80x128xf32, #tpu.memory_space<vmem>>, %arg12: memref<128x128xf32, #tpu.memory_space<vmem>>, %arg13: memref<!tpu.dma_semaphore, #tpu.memory_space<semaphore_mem>>) attributes {dimension_semantics = [#tpu.dimension_semantics<core_parallel>, #tpu.dimension_semantics<subcore_parallel>], iteration_bounds = array<i64: 2, 16>, scalar_prefetch = 0 : i64, scratch_operands = 7 : i64, tpu.core_type = #tpu.core_type<sc_vector_subcore>, window_params = [{transform_indices = #map}, {transform_indices = #map}, {transform_indices = #map1}, {transform_indices = #map1}, {transform_indices = #map2}]} {
    %mul3A = arith.constant 16 : i32
    %mul3A_0 = arith.muli %arg0, %mul3A : i32
    %add3A = arith.addi %mul3A_0, %arg1 : i32
    %broadcast_in_dim3A = arith.constant 0.000000e+00 : f32
    %broadcast_in_dim3A_1 = vector.broadcast %broadcast_in_dim3A : f32 to vector<16xf32>
    %scan3A = arith.constant 0 : i32
    %scan3A_2 = arith.constant 0 : i32
    %scan3A_3 = arith.constant 128 : i32
    %scan3A_4 = arith.addi %scan3A_2, %scan3A_3 : i32
    %scan3A_5 = arith.constant 1 : i32
    scf.for %scan3A_38 = %scan3A_2 to %scan3A_4 step %scan3A_5  : i32 {
      %swap3A = arith.index_cast %scan3A_38 : i32 to index
      %swap3A_39 = arith.constant 0 : index
      %swap3A_40 = tpu.vector_load %arg12[%swap3A, %swap3A_39] {strides = array<i32>} : memref<128x128xf32, #tpu.memory_space<vmem>>, vector<1x16xf32>,
      %swap3A_41 = vector.shape_cast %swap3A_40 : vector<1x16xf32> to vector<16xf32>
      %swap3A_42 = vector.shape_cast %broadcast_in_dim3A_1 : vector<16xf32> to vector<1x16xf32>
      tpu.vector_store %arg12[%swap3A, %swap3A_39], %swap3A_42 {strides = array<i32>} : memref<128x128xf32, #tpu.memory_space<vmem>>, vector<1x16xf32>,
      %swap3A_43 = arith.index_cast %scan3A_38 : i32 to index
      %swap3A_44 = arith.constant 16 : index
      %swap3A_45 = tpu.vector_load %arg12[%swap3A_43, %swap3A_44] {strides = array<i32>} : memref<128x128xf32, #tpu.memory_space<vmem>>, vector<1x16xf32>,
      %swap3A_46 = vector.shape_cast %swap3A_45 : vector<1x16xf32> to vector<16xf32>
      %swap3A_47 = vector.shape_cast %broadcast_in_dim3A_1 : vector<16xf32> to vector<1x16xf32>
      tpu.vector_store %arg12[%swap3A_43, %swap3A_44], %swap3A_47 {strides = array<i32>} : memref<128x128xf32, #tpu.memory_space<vmem>>, vector<1x16xf32>,
      %swap3A_48 = arith.index_cast %scan3A_38 : i32 to index
      %swap3A_49 = arith.constant 32 : index
      %swap3A_50 = tpu.vector_load %arg12[%swap3A_48, %swap3A_49] {strides = array<i32>} : memref<128x128xf32, #tpu.memory_space<vmem>>, vector<1x16xf32>,
      %swap3A_51 = vector.shape_cast %swap3A_50 : vector<1x16xf32> to vector<16xf32>
      %swap3A_52 = vector.shape_cast %broadcast_in_dim3A_1 : vector<16xf32> to vector<1x16xf32>
      tpu.vector_store %arg12[%swap3A_48, %swap3A_49], %swap3A_52 {strides = array<i32>} : memref<128x128xf32, #tpu.memory_space<vmem>>, vector<1x16xf32>,
      %swap3A_53 = arith.index_cast %scan3A_38 : i32 to index
      %swap3A_54 = arith.constant 48 : index
      %swap3A_55 = tpu.vector_load %arg12[%swap3A_53, %swap3A_54] {strides = array<i32>} : memref<128x128xf32, #tpu.memory_space<vmem>>, vector<1x16xf32>,
      %swap3A_56 = vector.shape_cast %swap3A_55 : vector<1x16xf32> to vector<16xf32>
      %swap3A_57 = vector.shape_cast %broadcast_in_dim3A_1 : vector<16xf32> to vector<1x16xf32>
      tpu.vector_store %arg12[%swap3A_53, %swap3A_54], %swap3A_57 {strides = array<i32>} : memref<128x128xf32, #tpu.memory_space<vmem>>, vector<1x16xf32>,
      %swap3A_58 = arith.index_cast %scan3A_38 : i32 to index
      %swap3A_59 = arith.constant 64 : index
      %swap3A_60 = tpu.vector_load %arg12[%swap3A_58, %swap3A_59] {strides = array<i32>} : memref<128x128xf32, #tpu.memory_space<vmem>>, vector<1x16xf32>,
      %swap3A_61 = vector.shape_cast %swap3A_60 : vector<1x16xf32> to vector<16xf32>
      %swap3A_62 = vector.shape_cast %broadcast_in_dim3A_1 : vector<16xf32> to vector<1x16xf32>
      tpu.vector_store %arg12[%swap3A_58, %swap3A_59], %swap3A_62 {strides = array<i32>} : memref<128x128xf32, #tpu.memory_space<vmem>>, vector<1x16xf32>,
      %swap3A_63 = arith.index_cast %scan3A_38 : i32 to index
      %swap3A_64 = arith.constant 80 : index
      %swap3A_65 = tpu.vector_load %arg12[%swap3A_63, %swap3A_64] {strides = array<i32>} : memref<128x128xf32, #tpu.memory_space<vmem>>, vector<1x16xf32>,
      %swap3A_66 = vector.shape_cast %swap3A_65 : vector<1x16xf32> to vector<16xf32>
      %swap3A_67 = vector.shape_cast %broadcast_in_dim3A_1 : vector<16xf32> to vector<1x16xf32>
      tpu.vector_store %arg12[%swap3A_63, %swap3A_64], %swap3A_67 {strides = array<i32>} : memref<128x128xf32, #tpu.memory_space<vmem>>, vector<1x16xf32>,
      %swap3A_68 = arith.index_cast %scan3A_38 : i32 to index
      %swap3A_69 = arith.constant 96 : index
      %swap3A_70 = tpu.vector_load %arg12[%swap3A_68, %swap3A_69] {strides = array<i32>} : memref<128x128xf32, #tpu.memory_space<vmem>>, vector<1x16xf32>,
      %swap3A_71 = vector.shape_cast %swap3A_70 : vector<1x16xf32> to vector<16xf32>
      %swap3A_72 = vector.shape_cast %broadcast_in_dim3A_1 : vector<16xf32> to vector<1x16xf32>
      tpu.vector_store %arg12[%swap3A_68, %swap3A_69], %swap3A_72 {strides = array<i32>} : memref<128x128xf32, #tpu.memory_space<vmem>>, vector<1x16xf32>,
      %swap3A_73 = arith.index_cast %scan3A_38 : i32 to index
      %swap3A_74 = arith.constant 112 : index
      %swap3A_75 = tpu.vector_load %arg12[%swap3A_73, %swap3A_74] {strides = array<i32>} : memref<128x128xf32, #tpu.memory_space<vmem>>, vector<1x16xf32>,
      %swap3A_76 = vector.shape_cast %swap3A_75 : vector<1x16xf32> to vector<16xf32>
      %swap3A_77 = vector.shape_cast %broadcast_in_dim3A_1 : vector<16xf32> to vector<1x16xf32>
      tpu.vector_store %arg12[%swap3A_73, %swap3A_74], %swap3A_77 {strides = array<i32>} : memref<128x128xf32, #tpu.memory_space<vmem>>, vector<1x16xf32>,
    }
    %scan3A_6 = arith.constant 128 : i32
    %mul3A_7 = arith.constant 640 : i32
    %mul3A_8 = arith.muli %arg1, %mul3A_7 : i32
    %add3A_9 = arith.constant 0 : i32
    %add3A_10 = arith.addi %mul3A_8, %add3A_9 : i32
    "tpu.region"() ({
      %run_scoped3A = tpu.sem_alloc : memref<!tpu.dma_semaphore, #tpu.memory_space<semaphore_mem>>
      %dma_start3A = arith.constant 0 : i32
      %dma_start3A_38 = tpu.memref_slice %arg7[%add3A_10, %dma_start3A] : memref<10240x128xf32, #tpu.memory_space<vmem_shared>> -> memref<128x128xf32, #tpu.memory_space<vmem_shared>>
      %dma_start3A_39 = arith.constant 0 : i32
      %dma_start3A_40 = tpu.memref_slice %arg7[%add3A_10, %dma_start3A_39] : memref<10240x128xf32, #tpu.memory_space<vmem_shared>> -> memref<128x128xf32, #tpu.memory_space<vmem_shared>>
      tpu.enqueue_dma source(%arg12 : memref<128x128xf32, #tpu.memory_space<vmem>>) target(%dma_start3A_40 : memref<128x128xf32, #tpu.memory_space<vmem_shared>>) target_semaphore(%run_scoped3A : memref<!tpu.dma_semaphore, #tpu.memory_space<semaphore_mem>>)
      %dma_wait3A = arith.constant 0 : i32
      %dma_wait3A_41 = tpu.memref_slice %arg7[%add3A_10, %dma_wait3A] : memref<10240x128xf32, #tpu.memory_space<vmem_shared>> -> memref<128x128xf32, #tpu.memory_space<vmem_shared>>
      %dma_wait3A_42 = arith.constant 0 : i32
      %dma_wait3A_43 = tpu.memref_slice %arg7[%add3A_10, %dma_wait3A_42] : memref<10240x128xf32, #tpu.memory_space<vmem_shared>> -> memref<128x128xf32, #tpu.memory_space<vmem_shared>>
      tpu.wait_dma2 semaphore(%run_scoped3A : memref<!tpu.dma_semaphore, #tpu.memory_space<semaphore_mem>>) src(%arg12 : memref<128x128xf32, #tpu.memory_space<vmem>>) dst(%dma_wait3A_43 : memref<128x128xf32, #tpu.memory_space<vmem_shared>>)
      tpu.yield
    }) : () -> ()
    %mul3A_11 = arith.constant 640 : i32
    %mul3A_12 = arith.muli %arg1, %mul3A_11 : i32
    %add3A_13 = arith.constant 128 : i32
    %add3A_14 = arith.addi %mul3A_12, %add3A_13 : i32
    "tpu.region"() ({
      %run_scoped3A = tpu.sem_alloc : memref<!tpu.dma_semaphore, #tpu.memory_space<semaphore_mem>>
      %dma_start3A = arith.constant 0 : i32
      %dma_start3A_38 = tpu.memref_slice %arg7[%add3A_14, %dma_start3A] : memref<10240x128xf32, #tpu.memory_space<vmem_shared>> -> memref<128x128xf32, #tpu.memory_space<vmem_shared>>
      %dma_start3A_39 = arith.constant 0 : i32
      %dma_start3A_40 = tpu.memref_slice %arg7[%add3A_14, %dma_start3A_39] : memref<10240x128xf32, #tpu.memory_space<vmem_shared>> -> memref<128x128xf32, #tpu.memory_space<vmem_shared>>
      tpu.enqueue_dma source(%arg12 : memref<128x128xf32, #tpu.memory_space<vmem>>) target(%dma_start3A_40 : memref<128x128xf32, #tpu.memory_space<vmem_shared>>) target_semaphore(%run_scoped3A : memref<!tpu.dma_semaphore, #tpu.memory_space<semaphore_mem>>)
      %dma_wait3A = arith.constant 0 : i32
      %dma_wait3A_41 = tpu.memref_slice %arg7[%add3A_14, %dma_wait3A] : memref<10240x128xf32, #tpu.memory_space<vmem_shared>> -> memref<128x128xf32, #tpu.memory_space<vmem_shared>>
      %dma_wait3A_42 = arith.constant 0 : i32
      %dma_wait3A_43 = tpu.memref_slice %arg7[%add3A_14, %dma_wait3A_42] : memref<10240x128xf32, #tpu.memory_space<vmem_shared>> -> memref<128x128xf32, #tpu.memory_space<vmem_shared>>
      tpu.wait_dma2 semaphore(%run_scoped3A : memref<!tpu.dma_semaphore, #tpu.memory_space<semaphore_mem>>) src(%arg12 : memref<128x128xf32, #tpu.memory_space<vmem>>) dst(%dma_wait3A_43 : memref<128x128xf32, #tpu.memory_space<vmem_shared>>)
      tpu.yield
    }) : () -> ()
    %mul3A_15 = arith.constant 640 : i32
    %mul3A_16 = arith.muli %arg1, %mul3A_15 : i32
    %add3A_17 = arith.constant 256 : i32
    %add3A_18 = arith.addi %mul3A_16, %add3A_17 : i32
    "tpu.region"() ({
      %run_scoped3A = tpu.sem_alloc : memref<!tpu.dma_semaphore, #tpu.memory_space<semaphore_mem>>
      %dma_start3A = arith.constant 0 : i32
      %dma_start3A_38 = tpu.memref_slice %arg7[%add3A_18, %dma_start3A] : memref<10240x128xf32, #tpu.memory_space<vmem_shared>> -> memref<128x128xf32, #tpu.memory_space<vmem_shared>>
      %dma_start3A_39 = arith.constant 0 : i32
      %dma_start3A_40 = tpu.memref_slice %arg7[%add3A_18, %dma_start3A_39] : memref<10240x128xf32, #tpu.memory_space<vmem_shared>> -> memref<128x128xf32, #tpu.memory_space<vmem_shared>>
      tpu.enqueue_dma source(%arg12 : memref<128x128xf32, #tpu.memory_space<vmem>>) target(%dma_start3A_40 : memref<128x128xf32, #tpu.memory_space<vmem_shared>>) target_semaphore(%run_scoped3A : memref<!tpu.dma_semaphore, #tpu.memory_space<semaphore_mem>>)
      %dma_wait3A = arith.constant 0 : i32
      %dma_wait3A_41 = tpu.memref_slice %arg7[%add3A_18, %dma_wait3A] : memref<10240x128xf32, #tpu.memory_space<vmem_shared>> -> memref<128x128xf32, #tpu.memory_space<vmem_shared>>
      %dma_wait3A_42 = arith.constant 0 : i32
      %dma_wait3A_43 = tpu.memref_slice %arg7[%add3A_18, %dma_wait3A_42] : memref<10240x128xf32, #tpu.memory_space<vmem_shared>> -> memref<128x128xf32, #tpu.memory_space<vmem_shared>>
      tpu.wait_dma2 semaphore(%run_scoped3A : memref<!tpu.dma_semaphore, #tpu.memory_space<semaphore_mem>>) src(%arg12 : memref<128x128xf32, #tpu.memory_space<vmem>>) dst(%dma_wait3A_43 : memref<128x128xf32, #tpu.memory_space<vmem_shared>>)
      tpu.yield
    }) : () -> ()
    %mul3A_19 = arith.constant 640 : i32
    %mul3A_20 = arith.muli %arg1, %mul3A_19 : i32
    %add3A_21 = arith.constant 384 : i32
    %add3A_22 = arith.addi %mul3A_20, %add3A_21 : i32
    "tpu.region"() ({
      %run_scoped3A = tpu.sem_alloc : memref<!tpu.dma_semaphore, #tpu.memory_space<semaphore_mem>>
      %dma_start3A = arith.constant 0 : i32
      %dma_start3A_38 = tpu.memref_slice %arg7[%add3A_22, %dma_start3A] : memref<10240x128xf32, #tpu.memory_space<vmem_shared>> -> memref<128x128xf32, #tpu.memory_space<vmem_shared>>
      %dma_start3A_39 = arith.constant 0 : i32
      %dma_start3A_40 = tpu.memref_slice %arg7[%add3A_22, %dma_start3A_39] : memref<10240x128xf32, #tpu.memory_space<vmem_shared>> -> memref<128x128xf32, #tpu.memory_space<vmem_shared>>
      tpu.enqueue_dma source(%arg12 : memref<128x128xf32, #tpu.memory_space<vmem>>) target(%dma_start3A_40 : memref<128x128xf32, #tpu.memory_space<vmem_shared>>) target_semaphore(%run_scoped3A : memref<!tpu.dma_semaphore, #tpu.memory_space<semaphore_mem>>)
      %dma_wait3A = arith.constant 0 : i32
      %dma_wait3A_41 = tpu.memref_slice %arg7[%add3A_22, %dma_wait3A] : memref<10240x128xf32, #tpu.memory_space<vmem_shared>> -> memref<128x128xf32, #tpu.memory_space<vmem_shared>>
      %dma_wait3A_42 = arith.constant 0 : i32
      %dma_wait3A_43 = tpu.memref_slice %arg7[%add3A_22, %dma_wait3A_42] : memref<10240x128xf32, #tpu.memory_space<vmem_shared>> -> memref<128x128xf32, #tpu.memory_space<vmem_shared>>
      tpu.wait_dma2 semaphore(%run_scoped3A : memref<!tpu.dma_semaphore, #tpu.memory_space<semaphore_mem>>) src(%arg12 : memref<128x128xf32, #tpu.memory_space<vmem>>) dst(%dma_wait3A_43 : memref<128x128xf32, #tpu.memory_space<vmem_shared>>)
      tpu.yield
    }) : () -> ()
    %mul3A_23 = arith.constant 640 : i32
    %mul3A_24 = arith.muli %arg1, %mul3A_23 : i32
    %add3A_25 = arith.constant 512 : i32
    %add3A_26 = arith.addi %mul3A_24, %add3A_25 : i32
    "tpu.region"() ({
      %run_scoped3A = tpu.sem_alloc : memref<!tpu.dma_semaphore, #tpu.memory_space<semaphore_mem>>
      %dma_start3A = arith.constant 0 : i32
      %dma_start3A_38 = tpu.memref_slice %arg7[%add3A_26, %dma_start3A] : memref<10240x128xf32, #tpu.memory_space<vmem_shared>> -> memref<128x128xf32, #tpu.memory_space<vmem_shared>>
      %dma_start3A_39 = arith.constant 0 : i32
      %dma_start3A_40 = tpu.memref_slice %arg7[%add3A_26, %dma_start3A_39] : memref<10240x128xf32, #tpu.memory_space<vmem_shared>> -> memref<128x128xf32, #tpu.memory_space<vmem_shared>>
      tpu.enqueue_dma source(%arg12 : memref<128x128xf32, #tpu.memory_space<vmem>>) target(%dma_start3A_40 : memref<128x128xf32, #tpu.memory_space<vmem_shared>>) target_semaphore(%run_scoped3A : memref<!tpu.dma_semaphore, #tpu.memory_space<semaphore_mem>>)
      %dma_wait3A = arith.constant 0 : i32
      %dma_wait3A_41 = tpu.memref_slice %arg7[%add3A_26, %dma_wait3A] : memref<10240x128xf32, #tpu.memory_space<vmem_shared>> -> memref<128x128xf32, #tpu.memory_space<vmem_shared>>
      %dma_wait3A_42 = arith.constant 0 : i32
      %dma_wait3A_43 = tpu.memref_slice %arg7[%add3A_26, %dma_wait3A_42] : memref<10240x128xf32, #tpu.memory_space<vmem_shared>> -> memref<128x128xf32, #tpu.memory_space<vmem_shared>>
      tpu.wait_dma2 semaphore(%run_scoped3A : memref<!tpu.dma_semaphore, #tpu.memory_space<semaphore_mem>>) src(%arg12 : memref<128x128xf32, #tpu.memory_space<vmem>>) dst(%dma_wait3A_43 : memref<128x128xf32, #tpu.memory_space<vmem_shared>>)
      tpu.yield
    }) : () -> ()
    %barrier3A = arith.constant 0 : index
    tpu.barrier barrier_id(%barrier3A)
    %scan3A_27 = arith.constant 0 : i32
    %scan3A_28 = arith.constant 0 : i32
    %scan3A_29 = arith.constant 125 : i32
    %scan3A_30 = arith.addi %scan3A_28, %scan3A_29 : i32
    %scan3A_31 = arith.constant 1 : i32
    scf.for %scan3A_38 = %scan3A_28 to %scan3A_30 step %scan3A_31  : i32 {
      %mul3A_39 = arith.constant 10000 : i32
      %mul3A_40 = arith.muli %add3A, %mul3A_39 : i32
      %mul3A_41 = arith.constant 80 : i32
      %mul3A_42 = arith.muli %scan3A_38, %mul3A_41 : i32
      %add3A_43 = arith.addi %mul3A_40, %mul3A_42 : i32
      "tpu.region"() ({
        %run_scoped3A = tpu.sem_alloc : memref<!tpu.dma_semaphore, #tpu.memory_space<semaphore_mem>>
        %dma_start3A_54 = tpu.memref_slice %arg4[%add3A_43] : memref<320000xi32, #tpu.memory_space<hbm>> -> memref<80xi32, #tpu.memory_space<hbm>>
        %dma_start3A_55 = tpu.memref_slice %arg4[%add3A_43] : memref<320000xi32, #tpu.memory_space<hbm>> -> memref<80xi32, #tpu.memory_space<hbm>>
        tpu.enqueue_dma source(%dma_start3A_55 : memref<80xi32, #tpu.memory_space<hbm>>) target(%arg8 : memref<80xi32, #tpu.memory_space<vmem>>) target_semaphore(%run_scoped3A : memref<!tpu.dma_semaphore, #tpu.memory_space<semaphore_mem>>)
        %dma_wait3A_56 = tpu.memref_slice %arg4[%add3A_43] : memref<320000xi32, #tpu.memory_space<hbm>> -> memref<80xi32, #tpu.memory_space<hbm>>
        %dma_wait3A_57 = tpu.memref_slice %arg4[%add3A_43] : memref<320000xi32, #tpu.memory_space<hbm>> -> memref<80xi32, #tpu.memory_space<hbm>>
        tpu.wait_dma2 semaphore(%run_scoped3A : memref<!tpu.dma_semaphore, #tpu.memory_space<semaphore_mem>>) src(%dma_wait3A_57 : memref<80xi32, #tpu.memory_space<hbm>>) dst(%arg8 : memref<80xi32, #tpu.memory_space<vmem>>)
        tpu.yield
      }) : () -> ()
      "tpu.region"() ({
        %run_scoped3A = tpu.sem_alloc : memref<!tpu.dma_semaphore, #tpu.memory_space<semaphore_mem>>
        %dma_start3A_54 = tpu.memref_slice %arg5[%add3A_43] : memref<320000xi32, #tpu.memory_space<hbm>> -> memref<80xi32, #tpu.memory_space<hbm>>
        %dma_start3A_55 = tpu.memref_slice %arg5[%add3A_43] : memref<320000xi32, #tpu.memory_space<hbm>> -> memref<80xi32, #tpu.memory_space<hbm>>
        tpu.enqueue_dma source(%dma_start3A_55 : memref<80xi32, #tpu.memory_space<hbm>>) target(%arg9 : memref<80xi32, #tpu.memory_space<vmem>>) target_semaphore(%run_scoped3A : memref<!tpu.dma_semaphore, #tpu.memory_space<semaphore_mem>>)
        %dma_wait3A_56 = tpu.memref_slice %arg5[%add3A_43] : memref<320000xi32, #tpu.memory_space<hbm>> -> memref<80xi32, #tpu.memory_space<hbm>>
        %dma_wait3A_57 = tpu.memref_slice %arg5[%add3A_43] : memref<320000xi32, #tpu.memory_space<hbm>> -> memref<80xi32, #tpu.memory_space<hbm>>
        tpu.wait_dma2 semaphore(%run_scoped3A : memref<!tpu.dma_semaphore, #tpu.memory_space<semaphore_mem>>) src(%dma_wait3A_57 : memref<80xi32, #tpu.memory_space<hbm>>) dst(%arg9 : memref<80xi32, #tpu.memory_space<vmem>>)
        tpu.yield
      }) : () -> ()
      %dma_start3A = arith.constant 0 : i32
      %dma_start3A_44 = arith.constant 0 : i32
      %dma_start3A_45 = tpu.memref_slice %arg2[%dma_start3A, %dma_start3A_44] : memref<10000x128xf32, #tpu.memory_space<hbm>> -> memref<10000x128xf32, #tpu.memory_space<hbm>>
      tpu.enqueue_indirect_dma source(%dma_start3A_45 : memref<10000x128xf32, #tpu.memory_space<hbm>>) target(%arg10 : memref<80x128xf32, #tpu.memory_space<vmem>>) offsets(%arg8 : memref<80xi32, #tpu.memory_space<vmem>>) semaphore(%arg13 : memref<!tpu.dma_semaphore, #tpu.memory_space<semaphore_mem>>)
      "tpu.region"() ({
        %run_scoped3A = tpu.sem_alloc : memref<!tpu.dma_semaphore, #tpu.memory_space<semaphore_mem>>
        %dma_start3A_54 = arith.constant 0 : i32
        %dma_start3A_55 = tpu.memref_slice %arg3[%add3A_43, %dma_start3A_54] : memref<320000x128xf32, #tpu.memory_space<hbm>> -> memref<80x128xf32, #tpu.memory_space<hbm>>
        %dma_start3A_56 = arith.constant 0 : i32
        %dma_start3A_57 = tpu.memref_slice %arg3[%add3A_43, %dma_start3A_56] : memref<320000x128xf32, #tpu.memory_space<hbm>> -> memref<80x128xf32, #tpu.memory_space<hbm>>
        tpu.enqueue_dma source(%dma_start3A_57 : memref<80x128xf32, #tpu.memory_space<hbm>>) target(%arg11 : memref<80x128xf32, #tpu.memory_space<vmem>>) target_semaphore(%run_scoped3A : memref<!tpu.dma_semaphore, #tpu.memory_space<semaphore_mem>>)
        %dma_wait3A_58 = arith.constant 0 : i32
        %dma_wait3A_59 = tpu.memref_slice %arg3[%add3A_43, %dma_wait3A_58] : memref<320000x128xf32, #tpu.memory_space<hbm>> -> memref<80x128xf32, #tpu.memory_space<hbm>>
        %dma_wait3A_60 = arith.constant 0 : i32
        %dma_wait3A_61 = tpu.memref_slice %arg3[%add3A_43, %dma_wait3A_60] : memref<320000x128xf32, #tpu.memory_space<hbm>> -> memref<80x128xf32, #tpu.memory_space<hbm>>
        tpu.wait_dma2 semaphore(%run_scoped3A : memref<!tpu.dma_semaphore, #tpu.memory_space<semaphore_mem>>) src(%dma_wait3A_61 : memref<80x128xf32, #tpu.memory_space<hbm>>) dst(%arg11 : memref<80x128xf32, #tpu.memory_space<vmem>>)
        tpu.yield
      }) : () -> ()
      %dma_wait3A = arith.constant 0 : i32
      %dma_wait3A_46 = arith.constant 0 : i32
      %dma_wait3A_47 = tpu.memref_slice %arg2[%dma_wait3A, %dma_wait3A_46] : memref<10000x128xf32, #tpu.memory_space<hbm>> -> memref<10000x128xf32, #tpu.memory_space<hbm>>
      tpu.wait_indirect_dma semaphore(%arg13 : memref<!tpu.dma_semaphore, #tpu.memory_space<semaphore_mem>>) src(%dma_wait3A_47 : memref<10000x128xf32, #tpu.memory_space<hbm>>) dst(%arg10 : memref<80x128xf32, #tpu.memory_space<vmem>>)
      %scan3A_48 = arith.constant 0 : i32
      %scan3A_49 = arith.constant 0 : i32
      %scan3A_50 = arith.constant 80 : i32
      %scan3A_51 = arith.addi %scan3A_49, %scan3A_50 : i32
      %scan3A_52 = arith.constant 1 : i32
      scf.for %scan3A_54 = %scan3A_49 to %scan3A_51 step %scan3A_52  : i32 {
        %get3A = arith.index_cast %scan3A_54 : i32 to index
        %get3A_55 = arith.constant 0 : index
        %get3A_56 = tpu.vector_load %arg10[%get3A, %get3A_55] {strides = array<i32>} : memref<80x128xf32, #tpu.memory_space<vmem>>, vector<1x16xf32>,
        %get3A_57 = vector.shape_cast %get3A_56 : vector<1x16xf32> to vector<16xf32>
        %get3A_58 = arith.index_cast %scan3A_54 : i32 to index
        %get3A_59 = arith.constant 0 : index
        %get3A_60 = tpu.vector_load %arg11[%get3A_58, %get3A_59] {strides = array<i32>} : memref<80x128xf32, #tpu.memory_space<vmem>>, vector<1x16xf32>,
        %get3A_61 = vector.shape_cast %get3A_60 : vector<1x16xf32> to vector<16xf32>
        %add3A_62 = arith.addf %get3A_57, %get3A_61 : vector<16xf32>
        %max3A = arith.constant 0.000000e+00 : f32
        %max3A_63 = vector.broadcast %max3A : f32 to vector<16xf32>
        %max3A_64 = arith.maximumf %add3A_62, %max3A_63 : vector<16xf32>
        %swap3A = arith.index_cast %scan3A_54 : i32 to index
        %swap3A_65 = arith.constant 0 : index
        %swap3A_66 = tpu.vector_load %arg11[%swap3A, %swap3A_65] {strides = array<i32>} : memref<80x128xf32, #tpu.memory_space<vmem>>, vector<1x16xf32>,
        %swap3A_67 = vector.shape_cast %swap3A_66 : vector<1x16xf32> to vector<16xf32>
        %swap3A_68 = vector.shape_cast %max3A_64 : vector<16xf32> to vector<1x16xf32>
        tpu.vector_store %arg11[%swap3A, %swap3A_65], %swap3A_68 {strides = array<i32>} : memref<80x128xf32, #tpu.memory_space<vmem>>, vector<1x16xf32>,
        %get3A_69 = arith.index_cast %scan3A_54 : i32 to index
        %get3A_70 = arith.constant 16 : index
        %get3A_71 = tpu.vector_load %arg10[%get3A_69, %get3A_70] {strides = array<i32>} : memref<80x128xf32, #tpu.memory_space<vmem>>, vector<1x16xf32>,
        %get3A_72 = vector.shape_cast %get3A_71 : vector<1x16xf32> to vector<16xf32>
        %get3A_73 = arith.index_cast %scan3A_54 : i32 to index
        %get3A_74 = arith.constant 16 : index
        %get3A_75 = tpu.vector_load %arg11[%get3A_73, %get3A_74] {strides = array<i32>} : memref<80x128xf32, #tpu.memory_space<vmem>>, vector<1x16xf32>,
        %get3A_76 = vector.shape_cast %get3A_75 : vector<1x16xf32> to vector<16xf32>
        %add3A_77 = arith.addf %get3A_72, %get3A_76 : vector<16xf32>
        %max3A_78 = arith.constant 0.000000e+00 : f32
        %max3A_79 = vector.broadcast %max3A_78 : f32 to vector<16xf32>
        %max3A_80 = arith.maximumf %add3A_77, %max3A_79 : vector<16xf32>
        %swap3A_81 = arith.index_cast %scan3A_54 : i32 to index
        %swap3A_82 = arith.constant 16 : index
        %swap3A_83 = tpu.vector_load %arg11[%swap3A_81, %swap3A_82] {strides = array<i32>} : memref<80x128xf32, #tpu.memory_space<vmem>>, vector<1x16xf32>,
        %swap3A_84 = vector.shape_cast %swap3A_83 : vector<1x16xf32> to vector<16xf32>
        %swap3A_85 = vector.shape_cast %max3A_80 : vector<16xf32> to vector<1x16xf32>
        tpu.vector_store %arg11[%swap3A_81, %swap3A_82], %swap3A_85 {strides = array<i32>} : memref<80x128xf32, #tpu.memory_space<vmem>>, vector<1x16xf32>,
        %get3A_86 = arith.index_cast %scan3A_54 : i32 to index
        %get3A_87 = arith.constant 32 : index
        %get3A_88 = tpu.vector_load %arg10[%get3A_86, %get3A_87] {strides = array<i32>} : memref<80x128xf32, #tpu.memory_space<vmem>>, vector<1x16xf32>,
        %get3A_89 = vector.shape_cast %get3A_88 : vector<1x16xf32> to vector<16xf32>
        %get3A_90 = arith.index_cast %scan3A_54 : i32 to index
        %get3A_91 = arith.constant 32 : index
        %get3A_92 = tpu.vector_load %arg11[%get3A_90, %get3A_91] {strides = array<i32>} : memref<80x128xf32, #tpu.memory_space<vmem>>, vector<1x16xf32>,
        %get3A_93 = vector.shape_cast %get3A_92 : vector<1x16xf32> to vector<16xf32>
        %add3A_94 = arith.addf %get3A_89, %get3A_93 : vector<16xf32>
        %max3A_95 = arith.constant 0.000000e+00 : f32
        %max3A_96 = vector.broadcast %max3A_95 : f32 to vector<16xf32>
        %max3A_97 = arith.maximumf %add3A_94, %max3A_96 : vector<16xf32>
        %swap3A_98 = arith.index_cast %scan3A_54 : i32 to index
        %swap3A_99 = arith.constant 32 : index
        %swap3A_100 = tpu.vector_load %arg11[%swap3A_98, %swap3A_99] {strides = array<i32>} : memref<80x128xf32, #tpu.memory_space<vmem>>, vector<1x16xf32>,
        %swap3A_101 = vector.shape_cast %swap3A_100 : vector<1x16xf32> to vector<16xf32>
        %swap3A_102 = vector.shape_cast %max3A_97 : vector<16xf32> to vector<1x16xf32>
        tpu.vector_store %arg11[%swap3A_98, %swap3A_99], %swap3A_102 {strides = array<i32>} : memref<80x128xf32, #tpu.memory_space<vmem>>, vector<1x16xf32>,
        %get3A_103 = arith.index_cast %scan3A_54 : i32 to index
        %get3A_104 = arith.constant 48 : index
        %get3A_105 = tpu.vector_load %arg10[%get3A_103, %get3A_104] {strides = array<i32>} : memref<80x128xf32, #tpu.memory_space<vmem>>, vector<1x16xf32>,
        %get3A_106 = vector.shape_cast %get3A_105 : vector<1x16xf32> to vector<16xf32>
        %get3A_107 = arith.index_cast %scan3A_54 : i32 to index
        %get3A_108 = arith.constant 48 : index
        %get3A_109 = tpu.vector_load %arg11[%get3A_107, %get3A_108] {strides = array<i32>} : memref<80x128xf32, #tpu.memory_space<vmem>>, vector<1x16xf32>,
        %get3A_110 = vector.shape_cast %get3A_109 : vector<1x16xf32> to vector<16xf32>
        %add3A_111 = arith.addf %get3A_106, %get3A_110 : vector<16xf32>
        %max3A_112 = arith.constant 0.000000e+00 : f32
        %max3A_113 = vector.broadcast %max3A_112 : f32 to vector<16xf32>
        %max3A_114 = arith.maximumf %add3A_111, %max3A_113 : vector<16xf32>
        %swap3A_115 = arith.index_cast %scan3A_54 : i32 to index
        %swap3A_116 = arith.constant 48 : index
        %swap3A_117 = tpu.vector_load %arg11[%swap3A_115, %swap3A_116] {strides = array<i32>} : memref<80x128xf32, #tpu.memory_space<vmem>>, vector<1x16xf32>,
        %swap3A_118 = vector.shape_cast %swap3A_117 : vector<1x16xf32> to vector<16xf32>
        %swap3A_119 = vector.shape_cast %max3A_114 : vector<16xf32> to vector<1x16xf32>
        tpu.vector_store %arg11[%swap3A_115, %swap3A_116], %swap3A_119 {strides = array<i32>} : memref<80x128xf32, #tpu.memory_space<vmem>>, vector<1x16xf32>,
        %get3A_120 = arith.index_cast %scan3A_54 : i32 to index
        %get3A_121 = arith.constant 64 : index
        %get3A_122 = tpu.vector_load %arg10[%get3A_120, %get3A_121] {strides = array<i32>} : memref<80x128xf32, #tpu.memory_space<vmem>>, vector<1x16xf32>,
        %get3A_123 = vector.shape_cast %get3A_122 : vector<1x16xf32> to vector<16xf32>
        %get3A_124 = arith.index_cast %scan3A_54 : i32 to index
        %get3A_125 = arith.constant 64 : index
        %get3A_126 = tpu.vector_load %arg11[%get3A_124, %get3A_125] {strides = array<i32>} : memref<80x128xf32, #tpu.memory_space<vmem>>, vector<1x16xf32>,
        %get3A_127 = vector.shape_cast %get3A_126 : vector<1x16xf32> to vector<16xf32>
        %add3A_128 = arith.addf %get3A_123, %get3A_127 : vector<16xf32>
        %max3A_129 = arith.constant 0.000000e+00 : f32
        %max3A_130 = vector.broadcast %max3A_129 : f32 to vector<16xf32>
        %max3A_131 = arith.maximumf %add3A_128, %max3A_130 : vector<16xf32>
        %swap3A_132 = arith.index_cast %scan3A_54 : i32 to index
        %swap3A_133 = arith.constant 64 : index
        %swap3A_134 = tpu.vector_load %arg11[%swap3A_132, %swap3A_133] {strides = array<i32>} : memref<80x128xf32, #tpu.memory_space<vmem>>, vector<1x16xf32>,
        %swap3A_135 = vector.shape_cast %swap3A_134 : vector<1x16xf32> to vector<16xf32>
        %swap3A_136 = vector.shape_cast %max3A_131 : vector<16xf32> to vector<1x16xf32>
        tpu.vector_store %arg11[%swap3A_132, %swap3A_133], %swap3A_136 {strides = array<i32>} : memref<80x128xf32, #tpu.memory_space<vmem>>, vector<1x16xf32>,
        %get3A_137 = arith.index_cast %scan3A_54 : i32 to index
        %get3A_138 = arith.constant 80 : index
        %get3A_139 = tpu.vector_load %arg10[%get3A_137, %get3A_138] {strides = array<i32>} : memref<80x128xf32, #tpu.memory_space<vmem>>, vector<1x16xf32>,
        %get3A_140 = vector.shape_cast %get3A_139 : vector<1x16xf32> to vector<16xf32>
        %get3A_141 = arith.index_cast %scan3A_54 : i32 to index
        %get3A_142 = arith.constant 80 : index
        %get3A_143 = tpu.vector_load %arg11[%get3A_141, %get3A_142] {strides = array<i32>} : memref<80x128xf32, #tpu.memory_space<vmem>>, vector<1x16xf32>,
        %get3A_144 = vector.shape_cast %get3A_143 : vector<1x16xf32> to vector<16xf32>
        %add3A_145 = arith.addf %get3A_140, %get3A_144 : vector<16xf32>
        %max3A_146 = arith.constant 0.000000e+00 : f32
        %max3A_147 = vector.broadcast %max3A_146 : f32 to vector<16xf32>
        %max3A_148 = arith.maximumf %add3A_145, %max3A_147 : vector<16xf32>
        %swap3A_149 = arith.index_cast %scan3A_54 : i32 to index
        %swap3A_150 = arith.constant 80 : index
        %swap3A_151 = tpu.vector_load %arg11[%swap3A_149, %swap3A_150] {strides = array<i32>} : memref<80x128xf32, #tpu.memory_space<vmem>>, vector<1x16xf32>,
        %swap3A_152 = vector.shape_cast %swap3A_151 : vector<1x16xf32> to vector<16xf32>
        %swap3A_153 = vector.shape_cast %max3A_148 : vector<16xf32> to vector<1x16xf32>
        tpu.vector_store %arg11[%swap3A_149, %swap3A_150], %swap3A_153 {strides = array<i32>} : memref<80x128xf32, #tpu.memory_space<vmem>>, vector<1x16xf32>,
        %get3A_154 = arith.index_cast %scan3A_54 : i32 to index
        %get3A_155 = arith.constant 96 : index
        %get3A_156 = tpu.vector_load %arg10[%get3A_154, %get3A_155] {strides = array<i32>} : memref<80x128xf32, #tpu.memory_space<vmem>>, vector<1x16xf32>,
        %get3A_157 = vector.shape_cast %get3A_156 : vector<1x16xf32> to vector<16xf32>
        %get3A_158 = arith.index_cast %scan3A_54 : i32 to index
        %get3A_159 = arith.constant 96 : index
        %get3A_160 = tpu.vector_load %arg11[%get3A_158, %get3A_159] {strides = array<i32>} : memref<80x128xf32, #tpu.memory_space<vmem>>, vector<1x16xf32>,
        %get3A_161 = vector.shape_cast %get3A_160 : vector<1x16xf32> to vector<16xf32>
        %add3A_162 = arith.addf %get3A_157, %get3A_161 : vector<16xf32>
        %max3A_163 = arith.constant 0.000000e+00 : f32
        %max3A_164 = vector.broadcast %max3A_163 : f32 to vector<16xf32>
        %max3A_165 = arith.maximumf %add3A_162, %max3A_164 : vector<16xf32>
        %swap3A_166 = arith.index_cast %scan3A_54 : i32 to index
        %swap3A_167 = arith.constant 96 : index
        %swap3A_168 = tpu.vector_load %arg11[%swap3A_166, %swap3A_167] {strides = array<i32>} : memref<80x128xf32, #tpu.memory_space<vmem>>, vector<1x16xf32>,
        %swap3A_169 = vector.shape_cast %swap3A_168 : vector<1x16xf32> to vector<16xf32>
        %swap3A_170 = vector.shape_cast %max3A_165 : vector<16xf32> to vector<1x16xf32>
        tpu.vector_store %arg11[%swap3A_166, %swap3A_167], %swap3A_170 {strides = array<i32>} : memref<80x128xf32, #tpu.memory_space<vmem>>, vector<1x16xf32>,
        %get3A_171 = arith.index_cast %scan3A_54 : i32 to index
        %get3A_172 = arith.constant 112 : index
        %get3A_173 = tpu.vector_load %arg10[%get3A_171, %get3A_172] {strides = array<i32>} : memref<80x128xf32, #tpu.memory_space<vmem>>, vector<1x16xf32>,
        %get3A_174 = vector.shape_cast %get3A_173 : vector<1x16xf32> to vector<16xf32>
        %get3A_175 = arith.index_cast %scan3A_54 : i32 to index
        %get3A_176 = arith.constant 112 : index
        %get3A_177 = tpu.vector_load %arg11[%get3A_175, %get3A_176] {strides = array<i32>} : memref<80x128xf32, #tpu.memory_space<vmem>>, vector<1x16xf32>,
        %get3A_178 = vector.shape_cast %get3A_177 : vector<1x16xf32> to vector<16xf32>
        %add3A_179 = arith.addf %get3A_174, %get3A_178 : vector<16xf32>
        %max3A_180 = arith.constant 0.000000e+00 : f32
        %max3A_181 = vector.broadcast %max3A_180 : f32 to vector<16xf32>
        %max3A_182 = arith.maximumf %add3A_179, %max3A_181 : vector<16xf32>
        %swap3A_183 = arith.index_cast %scan3A_54 : i32 to index
        %swap3A_184 = arith.constant 112 : index
        %swap3A_185 = tpu.vector_load %arg11[%swap3A_183, %swap3A_184] {strides = array<i32>} : memref<80x128xf32, #tpu.memory_space<vmem>>, vector<1x16xf32>,
        %swap3A_186 = vector.shape_cast %swap3A_185 : vector<1x16xf32> to vector<16xf32>
        %swap3A_187 = vector.shape_cast %max3A_182 : vector<16xf32> to vector<1x16xf32>
        tpu.vector_store %arg11[%swap3A_183, %swap3A_184], %swap3A_187 {strides = array<i32>} : memref<80x128xf32, #tpu.memory_space<vmem>>, vector<1x16xf32>,
      }
      %scan3A_53 = arith.constant 80 : i32
      "tpu.region"() ({
        %run_scoped3A = tpu.sem_alloc : memref<!tpu.dma_semaphore, #tpu.memory_space<semaphore_mem>>
        %dma_start3A_54 = arith.constant 0 : i32
        %dma_start3A_55 = arith.constant 0 : i32
        %dma_start3A_56 = tpu.memref_slice %arg7[%dma_start3A_54, %dma_start3A_55] : memref<10240x128xf32, #tpu.memory_space<vmem_shared>> -> memref<10240x128xf32, #tpu.memory_space<vmem_shared>>
        tpu.enqueue_indirect_dma source(%arg11 : memref<80x128xf32, #tpu.memory_space<vmem>>) target(%dma_start3A_56 : memref<10240x128xf32, #tpu.memory_space<vmem_shared>>) offsets(%arg9 : memref<80xi32, #tpu.memory_space<vmem>>) semaphore(%run_scoped3A : memref<!tpu.dma_semaphore, #tpu.memory_space<semaphore_mem>>) {add = true}
        %dma_wait3A_57 = arith.constant 0 : i32
        %dma_wait3A_58 = arith.constant 0 : i32
        %dma_wait3A_59 = tpu.memref_slice %arg7[%dma_wait3A_57, %dma_wait3A_58] : memref<10240x128xf32, #tpu.memory_space<vmem_shared>> -> memref<10240x128xf32, #tpu.memory_space<vmem_shared>>
        tpu.wait_indirect_dma semaphore(%run_scoped3A : memref<!tpu.dma_semaphore, #tpu.memory_space<semaphore_mem>>) src(%arg11 : memref<80x128xf32, #tpu.memory_space<vmem>>) dst(%dma_wait3A_59 : memref<10240x128xf32, #tpu.memory_space<vmem_shared>>)
        tpu.yield
      }) : () -> ()
    }
    %scan3A_32 = arith.constant 125 : i32
    %barrier3A_33 = arith.constant 0 : index
    tpu.barrier barrier_id(%barrier3A_33)
    %mul3A_34 = arith.constant 640 : i32
    %mul3A_35 = arith.muli %arg1, %mul3A_34 : i32
    %mul3A_36 = arith.constant 640 : i32
    %mul3A_37 = arith.muli %arg1, %mul3A_36 : i32
    "tpu.region"() ({
      %run_scoped3A = tpu.sem_alloc : memref<!tpu.dma_semaphore, #tpu.memory_space<semaphore_mem>>
      %dma_start3A = arith.constant 0 : i32
      %dma_start3A_38 = tpu.memref_slice %arg6[%arg0, %mul3A_37, %dma_start3A] : memref<2x10240x128xf32, #tpu.memory_space<hbm>> -> memref<1x640x128xf32, #tpu.memory_space<hbm>>
      %dma_start3A_39 = tpu.memref_squeeze %dma_start3A_38 : memref<1x640x128xf32, #tpu.memory_space<hbm>> -> memref<640x128xf32, #tpu.memory_space<hbm>>
      %dma_start3A_40 = arith.constant 0 : i32
      %dma_start3A_41 = tpu.memref_slice %arg7[%mul3A_35, %dma_start3A_40] : memref<10240x128xf32, #tpu.memory_space<vmem_shared>> -> memref<640x128xf32, #tpu.memory_space<vmem_shared>>
      tpu.enqueue_dma source(%dma_start3A_41 : memref<640x128xf32, #tpu.memory_space<vmem_shared>>) target(%dma_start3A_39 : memref<640x128xf32, #tpu.memory_space<hbm>>) target_semaphore(%run_scoped3A : memref<!tpu.dma_semaphore, #tpu.memory_space<semaphore_mem>>)
      %dma_wait3A = arith.constant 0 : i32
      %dma_wait3A_42 = tpu.memref_slice %arg6[%arg0, %mul3A_37, %dma_wait3A] : memref<2x10240x128xf32, #tpu.memory_space<hbm>> -> memref<1x640x128xf32, #tpu.memory_space<hbm>>
      %dma_wait3A_43 = tpu.memref_squeeze %dma_wait3A_42 : memref<1x640x128xf32, #tpu.memory_space<hbm>> -> memref<640x128xf32, #tpu.memory_space<hbm>>
      %dma_wait3A_44 = arith.constant 0 : i32
      %dma_wait3A_45 = tpu.memref_slice %arg7[%mul3A_35, %dma_wait3A_44] : memref<10240x128xf32, #tpu.memory_space<vmem_shared>> -> memref<640x128xf32, #tpu.memory_space<vmem_shared>>
      tpu.wait_dma2 semaphore(%run_scoped3A : memref<!tpu.dma_semaphore, #tpu.memory_space<semaphore_mem>>) src(%dma_wait3A_45 : memref<640x128xf32, #tpu.memory_space<vmem_shared>>) dst(%dma_wait3A_43 : memref<640x128xf32, #tpu.memory_space<hbm>>)
      tpu.yield
    }) : () -> ()
    return
  }
}

#map = affine_map<(d0, d1) -> (0, 0)>
#map1 = affine_map<(d0, d1) -> (0)>
#map2 = affine_map<(d0, d1) -> (0, 0, 0)>
module attributes {stable_mosaic.version = 14 : i64} {
  func.func @_sc_aggr_body(%arg0: i32, %arg1: i32, %arg2: memref<10000x128xf32, #tpu.memory_space<hbm>>, %arg3: memref<320000x128xf32, #tpu.memory_space<hbm>>, %arg4: memref<320000xi32, #tpu.memory_space<hbm>>, %arg5: memref<320000xi32, #tpu.memory_space<hbm>>, %arg6: memref<2x10240x128xf32, #tpu.memory_space<hbm>>, %arg7: memref<10240x128xf32, #tpu.memory_space<vmem_shared>>, %arg8: memref<80xi32, #tpu.memory_space<vmem>>, %arg9: memref<80xi32, #tpu.memory_space<vmem>>, %arg10: memref<80x128xf32, #tpu.memory_space<vmem>>, %arg11: memref<80x128xf32, #tpu.memory_space<vmem>>, %arg12: memref<128x128xf32, #tpu.memory_space<vmem>>, %arg13: memref<!tpu.dma_semaphore, #tpu.memory_space<semaphore_mem>>) attributes {dimension_semantics = [#tpu.dimension_semantics<core_parallel>, #tpu.dimension_semantics<subcore_parallel>], iteration_bounds = array<i64: 2, 16>, scalar_prefetch = 0 : i64, scratch_operands = 7 : i64, tpu.core_type = #tpu.core_type<sc_vector_subcore>, window_params = [{transform_indices = #map}, {transform_indices = #map}, {transform_indices = #map1}, {transform_indices = #map1}, {transform_indices = #map2}]} {
    %mul3A = arith.constant 16 : i32
    %mul3A_0 = arith.muli %arg0, %mul3A : i32
    %add3A = arith.addi %mul3A_0, %arg1 : i32
    %broadcast_in_dim3A = arith.constant 0.000000e+00 : f32
    %broadcast_in_dim3A_1 = vector.broadcast %broadcast_in_dim3A : f32 to vector<16xf32>
    %scan3A = arith.constant 0 : i32
    %scan3A_2 = arith.constant 0 : i32
    %scan3A_3 = arith.constant 128 : i32
    %scan3A_4 = arith.addi %scan3A_2, %scan3A_3 : i32
    %scan3A_5 = arith.constant 1 : i32
    scf.for %scan3A_38 = %scan3A_2 to %scan3A_4 step %scan3A_5  : i32 {
      %swap3A = arith.index_cast %scan3A_38 : i32 to index
      %swap3A_39 = arith.constant 0 : index
      %swap3A_40 = tpu.vector_load %arg12[%swap3A, %swap3A_39] {strides = array<i32>} : memref<128x128xf32, #tpu.memory_space<vmem>>, vector<1x16xf32>,
      %swap3A_41 = vector.shape_cast %swap3A_40 : vector<1x16xf32> to vector<16xf32>
      %swap3A_42 = vector.shape_cast %broadcast_in_dim3A_1 : vector<16xf32> to vector<1x16xf32>
      tpu.vector_store %arg12[%swap3A, %swap3A_39], %swap3A_42 {strides = array<i32>} : memref<128x128xf32, #tpu.memory_space<vmem>>, vector<1x16xf32>,
      %swap3A_43 = arith.index_cast %scan3A_38 : i32 to index
      %swap3A_44 = arith.constant 16 : index
      %swap3A_45 = tpu.vector_load %arg12[%swap3A_43, %swap3A_44] {strides = array<i32>} : memref<128x128xf32, #tpu.memory_space<vmem>>, vector<1x16xf32>,
      %swap3A_46 = vector.shape_cast %swap3A_45 : vector<1x16xf32> to vector<16xf32>
      %swap3A_47 = vector.shape_cast %broadcast_in_dim3A_1 : vector<16xf32> to vector<1x16xf32>
      tpu.vector_store %arg12[%swap3A_43, %swap3A_44], %swap3A_47 {strides = array<i32>} : memref<128x128xf32, #tpu.memory_space<vmem>>, vector<1x16xf32>,
      %swap3A_48 = arith.index_cast %scan3A_38 : i32 to index
      %swap3A_49 = arith.constant 32 : index
      %swap3A_50 = tpu.vector_load %arg12[%swap3A_48, %swap3A_49] {strides = array<i32>} : memref<128x128xf32, #tpu.memory_space<vmem>>, vector<1x16xf32>,
      %swap3A_51 = vector.shape_cast %swap3A_50 : vector<1x16xf32> to vector<16xf32>
      %swap3A_52 = vector.shape_cast %broadcast_in_dim3A_1 : vector<16xf32> to vector<1x16xf32>
      tpu.vector_store %arg12[%swap3A_48, %swap3A_49], %swap3A_52 {strides = array<i32>} : memref<128x128xf32, #tpu.memory_space<vmem>>, vector<1x16xf32>,
      %swap3A_53 = arith.index_cast %scan3A_38 : i32 to index
      %swap3A_54 = arith.constant 48 : index
      %swap3A_55 = tpu.vector_load %arg12[%swap3A_53, %swap3A_54] {strides = array<i32>} : memref<128x128xf32, #tpu.memory_space<vmem>>, vector<1x16xf32>,
      %swap3A_56 = vector.shape_cast %swap3A_55 : vector<1x16xf32> to vector<16xf32>
      %swap3A_57 = vector.shape_cast %broadcast_in_dim3A_1 : vector<16xf32> to vector<1x16xf32>
      tpu.vector_store %arg12[%swap3A_53, %swap3A_54], %swap3A_57 {strides = array<i32>} : memref<128x128xf32, #tpu.memory_space<vmem>>, vector<1x16xf32>,
      %swap3A_58 = arith.index_cast %scan3A_38 : i32 to index
      %swap3A_59 = arith.constant 64 : index
      %swap3A_60 = tpu.vector_load %arg12[%swap3A_58, %swap3A_59] {strides = array<i32>} : memref<128x128xf32, #tpu.memory_space<vmem>>, vector<1x16xf32>,
      %swap3A_61 = vector.shape_cast %swap3A_60 : vector<1x16xf32> to vector<16xf32>
      %swap3A_62 = vector.shape_cast %broadcast_in_dim3A_1 : vector<16xf32> to vector<1x16xf32>
      tpu.vector_store %arg12[%swap3A_58, %swap3A_59], %swap3A_62 {strides = array<i32>} : memref<128x128xf32, #tpu.memory_space<vmem>>, vector<1x16xf32>,
      %swap3A_63 = arith.index_cast %scan3A_38 : i32 to index
      %swap3A_64 = arith.constant 80 : index
      %swap3A_65 = tpu.vector_load %arg12[%swap3A_63, %swap3A_64] {strides = array<i32>} : memref<128x128xf32, #tpu.memory_space<vmem>>, vector<1x16xf32>,
      %swap3A_66 = vector.shape_cast %swap3A_65 : vector<1x16xf32> to vector<16xf32>
      %swap3A_67 = vector.shape_cast %broadcast_in_dim3A_1 : vector<16xf32> to vector<1x16xf32>
      tpu.vector_store %arg12[%swap3A_63, %swap3A_64], %swap3A_67 {strides = array<i32>} : memref<128x128xf32, #tpu.memory_space<vmem>>, vector<1x16xf32>,
      %swap3A_68 = arith.index_cast %scan3A_38 : i32 to index
      %swap3A_69 = arith.constant 96 : index
      %swap3A_70 = tpu.vector_load %arg12[%swap3A_68, %swap3A_69] {strides = array<i32>} : memref<128x128xf32, #tpu.memory_space<vmem>>, vector<1x16xf32>,
      %swap3A_71 = vector.shape_cast %swap3A_70 : vector<1x16xf32> to vector<16xf32>
      %swap3A_72 = vector.shape_cast %broadcast_in_dim3A_1 : vector<16xf32> to vector<1x16xf32>
      tpu.vector_store %arg12[%swap3A_68, %swap3A_69], %swap3A_72 {strides = array<i32>} : memref<128x128xf32, #tpu.memory_space<vmem>>, vector<1x16xf32>,
      %swap3A_73 = arith.index_cast %scan3A_38 : i32 to index
      %swap3A_74 = arith.constant 112 : index
      %swap3A_75 = tpu.vector_load %arg12[%swap3A_73, %swap3A_74] {strides = array<i32>} : memref<128x128xf32, #tpu.memory_space<vmem>>, vector<1x16xf32>,
      %swap3A_76 = vector.shape_cast %swap3A_75 : vector<1x16xf32> to vector<16xf32>
      %swap3A_77 = vector.shape_cast %broadcast_in_dim3A_1 : vector<16xf32> to vector<1x16xf32>
      tpu.vector_store %arg12[%swap3A_73, %swap3A_74], %swap3A_77 {strides = array<i32>} : memref<128x128xf32, #tpu.memory_space<vmem>>, vector<1x16xf32>,
    }
    %scan3A_6 = arith.constant 128 : i32
    %mul3A_7 = arith.constant 640 : i32
    %mul3A_8 = arith.muli %arg1, %mul3A_7 : i32
    %add3A_9 = arith.constant 0 : i32
    %add3A_10 = arith.addi %mul3A_8, %add3A_9 : i32
    "tpu.region"() ({
      %run_scoped3A = tpu.sem_alloc : memref<!tpu.dma_semaphore, #tpu.memory_space<semaphore_mem>>
      %dma_start3A = arith.constant 0 : i32
      %dma_start3A_38 = tpu.memref_slice %arg7[%add3A_10, %dma_start3A] : memref<10240x128xf32, #tpu.memory_space<vmem_shared>> -> memref<128x128xf32, #tpu.memory_space<vmem_shared>>
      %dma_start3A_39 = arith.constant 0 : i32
      %dma_start3A_40 = tpu.memref_slice %arg7[%add3A_10, %dma_start3A_39] : memref<10240x128xf32, #tpu.memory_space<vmem_shared>> -> memref<128x128xf32, #tpu.memory_space<vmem_shared>>
      tpu.enqueue_dma source(%arg12 : memref<128x128xf32, #tpu.memory_space<vmem>>) target(%dma_start3A_40 : memref<128x128xf32, #tpu.memory_space<vmem_shared>>) target_semaphore(%run_scoped3A : memref<!tpu.dma_semaphore, #tpu.memory_space<semaphore_mem>>)
      %dma_wait3A = arith.constant 0 : i32
      %dma_wait3A_41 = tpu.memref_slice %arg7[%add3A_10, %dma_wait3A] : memref<10240x128xf32, #tpu.memory_space<vmem_shared>> -> memref<128x128xf32, #tpu.memory_space<vmem_shared>>
      %dma_wait3A_42 = arith.constant 0 : i32
      %dma_wait3A_43 = tpu.memref_slice %arg7[%add3A_10, %dma_wait3A_42] : memref<10240x128xf32, #tpu.memory_space<vmem_shared>> -> memref<128x128xf32, #tpu.memory_space<vmem_shared>>
      tpu.wait_dma2 semaphore(%run_scoped3A : memref<!tpu.dma_semaphore, #tpu.memory_space<semaphore_mem>>) src(%arg12 : memref<128x128xf32, #tpu.memory_space<vmem>>) dst(%dma_wait3A_43 : memref<128x128xf32, #tpu.memory_space<vmem_shared>>)
      tpu.yield
    }) : () -> ()
    %mul3A_11 = arith.constant 640 : i32
    %mul3A_12 = arith.muli %arg1, %mul3A_11 : i32
    %add3A_13 = arith.constant 128 : i32
    %add3A_14 = arith.addi %mul3A_12, %add3A_13 : i32
    "tpu.region"() ({
      %run_scoped3A = tpu.sem_alloc : memref<!tpu.dma_semaphore, #tpu.memory_space<semaphore_mem>>
      %dma_start3A = arith.constant 0 : i32
      %dma_start3A_38 = tpu.memref_slice %arg7[%add3A_14, %dma_start3A] : memref<10240x128xf32, #tpu.memory_space<vmem_shared>> -> memref<128x128xf32, #tpu.memory_space<vmem_shared>>
      %dma_start3A_39 = arith.constant 0 : i32
      %dma_start3A_40 = tpu.memref_slice %arg7[%add3A_14, %dma_start3A_39] : memref<10240x128xf32, #tpu.memory_space<vmem_shared>> -> memref<128x128xf32, #tpu.memory_space<vmem_shared>>
      tpu.enqueue_dma source(%arg12 : memref<128x128xf32, #tpu.memory_space<vmem>>) target(%dma_start3A_40 : memref<128x128xf32, #tpu.memory_space<vmem_shared>>) target_semaphore(%run_scoped3A : memref<!tpu.dma_semaphore, #tpu.memory_space<semaphore_mem>>)
      %dma_wait3A = arith.constant 0 : i32
      %dma_wait3A_41 = tpu.memref_slice %arg7[%add3A_14, %dma_wait3A] : memref<10240x128xf32, #tpu.memory_space<vmem_shared>> -> memref<128x128xf32, #tpu.memory_space<vmem_shared>>
      %dma_wait3A_42 = arith.constant 0 : i32
      %dma_wait3A_43 = tpu.memref_slice %arg7[%add3A_14, %dma_wait3A_42] : memref<10240x128xf32, #tpu.memory_space<vmem_shared>> -> memref<128x128xf32, #tpu.memory_space<vmem_shared>>
      tpu.wait_dma2 semaphore(%run_scoped3A : memref<!tpu.dma_semaphore, #tpu.memory_space<semaphore_mem>>) src(%arg12 : memref<128x128xf32, #tpu.memory_space<vmem>>) dst(%dma_wait3A_43 : memref<128x128xf32, #tpu.memory_space<vmem_shared>>)
      tpu.yield
    }) : () -> ()
    %mul3A_15 = arith.constant 640 : i32
    %mul3A_16 = arith.muli %arg1, %mul3A_15 : i32
    %add3A_17 = arith.constant 256 : i32
    %add3A_18 = arith.addi %mul3A_16, %add3A_17 : i32
    "tpu.region"() ({
      %run_scoped3A = tpu.sem_alloc : memref<!tpu.dma_semaphore, #tpu.memory_space<semaphore_mem>>
      %dma_start3A = arith.constant 0 : i32
      %dma_start3A_38 = tpu.memref_slice %arg7[%add3A_18, %dma_start3A] : memref<10240x128xf32, #tpu.memory_space<vmem_shared>> -> memref<128x128xf32, #tpu.memory_space<vmem_shared>>
      %dma_start3A_39 = arith.constant 0 : i32
      %dma_start3A_40 = tpu.memref_slice %arg7[%add3A_18, %dma_start3A_39] : memref<10240x128xf32, #tpu.memory_space<vmem_shared>> -> memref<128x128xf32, #tpu.memory_space<vmem_shared>>
      tpu.enqueue_dma source(%arg12 : memref<128x128xf32, #tpu.memory_space<vmem>>) target(%dma_start3A_40 : memref<128x128xf32, #tpu.memory_space<vmem_shared>>) target_semaphore(%run_scoped3A : memref<!tpu.dma_semaphore, #tpu.memory_space<semaphore_mem>>)
      %dma_wait3A = arith.constant 0 : i32
      %dma_wait3A_41 = tpu.memref_slice %arg7[%add3A_18, %dma_wait3A] : memref<10240x128xf32, #tpu.memory_space<vmem_shared>> -> memref<128x128xf32, #tpu.memory_space<vmem_shared>>
      %dma_wait3A_42 = arith.constant 0 : i32
      %dma_wait3A_43 = tpu.memref_slice %arg7[%add3A_18, %dma_wait3A_42] : memref<10240x128xf32, #tpu.memory_space<vmem_shared>> -> memref<128x128xf32, #tpu.memory_space<vmem_shared>>
      tpu.wait_dma2 semaphore(%run_scoped3A : memref<!tpu.dma_semaphore, #tpu.memory_space<semaphore_mem>>) src(%arg12 : memref<128x128xf32, #tpu.memory_space<vmem>>) dst(%dma_wait3A_43 : memref<128x128xf32, #tpu.memory_space<vmem_shared>>)
      tpu.yield
    }) : () -> ()
    %mul3A_19 = arith.constant 640 : i32
    %mul3A_20 = arith.muli %arg1, %mul3A_19 : i32
    %add3A_21 = arith.constant 384 : i32
    %add3A_22 = arith.addi %mul3A_20, %add3A_21 : i32
    "tpu.region"() ({
      %run_scoped3A = tpu.sem_alloc : memref<!tpu.dma_semaphore, #tpu.memory_space<semaphore_mem>>
      %dma_start3A = arith.constant 0 : i32
      %dma_start3A_38 = tpu.memref_slice %arg7[%add3A_22, %dma_start3A] : memref<10240x128xf32, #tpu.memory_space<vmem_shared>> -> memref<128x128xf32, #tpu.memory_space<vmem_shared>>
      %dma_start3A_39 = arith.constant 0 : i32
      %dma_start3A_40 = tpu.memref_slice %arg7[%add3A_22, %dma_start3A_39] : memref<10240x128xf32, #tpu.memory_space<vmem_shared>> -> memref<128x128xf32, #tpu.memory_space<vmem_shared>>
      tpu.enqueue_dma source(%arg12 : memref<128x128xf32, #tpu.memory_space<vmem>>) target(%dma_start3A_40 : memref<128x128xf32, #tpu.memory_space<vmem_shared>>) target_semaphore(%run_scoped3A : memref<!tpu.dma_semaphore, #tpu.memory_space<semaphore_mem>>)
      %dma_wait3A = arith.constant 0 : i32
      %dma_wait3A_41 = tpu.memref_slice %arg7[%add3A_22, %dma_wait3A] : memref<10240x128xf32, #tpu.memory_space<vmem_shared>> -> memref<128x128xf32, #tpu.memory_space<vmem_shared>>
      %dma_wait3A_42 = arith.constant 0 : i32
      %dma_wait3A_43 = tpu.memref_slice %arg7[%add3A_22, %dma_wait3A_42] : memref<10240x128xf32, #tpu.memory_space<vmem_shared>> -> memref<128x128xf32, #tpu.memory_space<vmem_shared>>
      tpu.wait_dma2 semaphore(%run_scoped3A : memref<!tpu.dma_semaphore, #tpu.memory_space<semaphore_mem>>) src(%arg12 : memref<128x128xf32, #tpu.memory_space<vmem>>) dst(%dma_wait3A_43 : memref<128x128xf32, #tpu.memory_space<vmem_shared>>)
      tpu.yield
    }) : () -> ()
    %mul3A_23 = arith.constant 640 : i32
    %mul3A_24 = arith.muli %arg1, %mul3A_23 : i32
    %add3A_25 = arith.constant 512 : i32
    %add3A_26 = arith.addi %mul3A_24, %add3A_25 : i32
    "tpu.region"() ({
      %run_scoped3A = tpu.sem_alloc : memref<!tpu.dma_semaphore, #tpu.memory_space<semaphore_mem>>
      %dma_start3A = arith.constant 0 : i32
      %dma_start3A_38 = tpu.memref_slice %arg7[%add3A_26, %dma_start3A] : memref<10240x128xf32, #tpu.memory_space<vmem_shared>> -> memref<128x128xf32, #tpu.memory_space<vmem_shared>>
      %dma_start3A_39 = arith.constant 0 : i32
      %dma_start3A_40 = tpu.memref_slice %arg7[%add3A_26, %dma_start3A_39] : memref<10240x128xf32, #tpu.memory_space<vmem_shared>> -> memref<128x128xf32, #tpu.memory_space<vmem_shared>>
      tpu.enqueue_dma source(%arg12 : memref<128x128xf32, #tpu.memory_space<vmem>>) target(%dma_start3A_40 : memref<128x128xf32, #tpu.memory_space<vmem_shared>>) target_semaphore(%run_scoped3A : memref<!tpu.dma_semaphore, #tpu.memory_space<semaphore_mem>>)
      %dma_wait3A = arith.constant 0 : i32
      %dma_wait3A_41 = tpu.memref_slice %arg7[%add3A_26, %dma_wait3A] : memref<10240x128xf32, #tpu.memory_space<vmem_shared>> -> memref<128x128xf32, #tpu.memory_space<vmem_shared>>
      %dma_wait3A_42 = arith.constant 0 : i32
      %dma_wait3A_43 = tpu.memref_slice %arg7[%add3A_26, %dma_wait3A_42] : memref<10240x128xf32, #tpu.memory_space<vmem_shared>> -> memref<128x128xf32, #tpu.memory_space<vmem_shared>>
      tpu.wait_dma2 semaphore(%run_scoped3A : memref<!tpu.dma_semaphore, #tpu.memory_space<semaphore_mem>>) src(%arg12 : memref<128x128xf32, #tpu.memory_space<vmem>>) dst(%dma_wait3A_43 : memref<128x128xf32, #tpu.memory_space<vmem_shared>>)
      tpu.yield
    }) : () -> ()
    %barrier3A = arith.constant 0 : index
    tpu.barrier barrier_id(%barrier3A)
    %scan3A_27 = arith.constant 0 : i32
    %scan3A_28 = arith.constant 0 : i32
    %scan3A_29 = arith.constant 125 : i32
    %scan3A_30 = arith.addi %scan3A_28, %scan3A_29 : i32
    %scan3A_31 = arith.constant 1 : i32
    scf.for %scan3A_38 = %scan3A_28 to %scan3A_30 step %scan3A_31  : i32 {
      %mul3A_39 = arith.constant 10000 : i32
      %mul3A_40 = arith.muli %add3A, %mul3A_39 : i32
      %mul3A_41 = arith.constant 80 : i32
      %mul3A_42 = arith.muli %scan3A_38, %mul3A_41 : i32
      %add3A_43 = arith.addi %mul3A_40, %mul3A_42 : i32
      "tpu.region"() ({
        %run_scoped3A = tpu.sem_alloc : memref<!tpu.dma_semaphore, #tpu.memory_space<semaphore_mem>>
        %dma_start3A_54 = tpu.memref_slice %arg4[%add3A_43] : memref<320000xi32, #tpu.memory_space<hbm>> -> memref<80xi32, #tpu.memory_space<hbm>>
        %dma_start3A_55 = tpu.memref_slice %arg4[%add3A_43] : memref<320000xi32, #tpu.memory_space<hbm>> -> memref<80xi32, #tpu.memory_space<hbm>>
        tpu.enqueue_dma source(%dma_start3A_55 : memref<80xi32, #tpu.memory_space<hbm>>) target(%arg8 : memref<80xi32, #tpu.memory_space<vmem>>) target_semaphore(%run_scoped3A : memref<!tpu.dma_semaphore, #tpu.memory_space<semaphore_mem>>)
        %dma_wait3A_56 = tpu.memref_slice %arg4[%add3A_43] : memref<320000xi32, #tpu.memory_space<hbm>> -> memref<80xi32, #tpu.memory_space<hbm>>
        %dma_wait3A_57 = tpu.memref_slice %arg4[%add3A_43] : memref<320000xi32, #tpu.memory_space<hbm>> -> memref<80xi32, #tpu.memory_space<hbm>>
        tpu.wait_dma2 semaphore(%run_scoped3A : memref<!tpu.dma_semaphore, #tpu.memory_space<semaphore_mem>>) src(%dma_wait3A_57 : memref<80xi32, #tpu.memory_space<hbm>>) dst(%arg8 : memref<80xi32, #tpu.memory_space<vmem>>)
        tpu.yield
      }) : () -> ()
      "tpu.region"() ({
        %run_scoped3A = tpu.sem_alloc : memref<!tpu.dma_semaphore, #tpu.memory_space<semaphore_mem>>
        %dma_start3A_54 = tpu.memref_slice %arg5[%add3A_43] : memref<320000xi32, #tpu.memory_space<hbm>> -> memref<80xi32, #tpu.memory_space<hbm>>
        %dma_start3A_55 = tpu.memref_slice %arg5[%add3A_43] : memref<320000xi32, #tpu.memory_space<hbm>> -> memref<80xi32, #tpu.memory_space<hbm>>
        tpu.enqueue_dma source(%dma_start3A_55 : memref<80xi32, #tpu.memory_space<hbm>>) target(%arg9 : memref<80xi32, #tpu.memory_space<vmem>>) target_semaphore(%run_scoped3A : memref<!tpu.dma_semaphore, #tpu.memory_space<semaphore_mem>>)
        %dma_wait3A_56 = tpu.memref_slice %arg5[%add3A_43] : memref<320000xi32, #tpu.memory_space<hbm>> -> memref<80xi32, #tpu.memory_space<hbm>>
        %dma_wait3A_57 = tpu.memref_slice %arg5[%add3A_43] : memref<320000xi32, #tpu.memory_space<hbm>> -> memref<80xi32, #tpu.memory_space<hbm>>
        tpu.wait_dma2 semaphore(%run_scoped3A : memref<!tpu.dma_semaphore, #tpu.memory_space<semaphore_mem>>) src(%dma_wait3A_57 : memref<80xi32, #tpu.memory_space<hbm>>) dst(%arg9 : memref<80xi32, #tpu.memory_space<vmem>>)
        tpu.yield
      }) : () -> ()
      %dma_start3A = arith.constant 0 : i32
      %dma_start3A_44 = arith.constant 0 : i32
      %dma_start3A_45 = tpu.memref_slice %arg2[%dma_start3A, %dma_start3A_44] : memref<10000x128xf32, #tpu.memory_space<hbm>> -> memref<10000x128xf32, #tpu.memory_space<hbm>>
      tpu.enqueue_indirect_dma source(%dma_start3A_45 : memref<10000x128xf32, #tpu.memory_space<hbm>>) target(%arg10 : memref<80x128xf32, #tpu.memory_space<vmem>>) offsets(%arg8 : memref<80xi32, #tpu.memory_space<vmem>>) semaphore(%arg13 : memref<!tpu.dma_semaphore, #tpu.memory_space<semaphore_mem>>)
      "tpu.region"() ({
        %run_scoped3A = tpu.sem_alloc : memref<!tpu.dma_semaphore, #tpu.memory_space<semaphore_mem>>
        %dma_start3A_54 = arith.constant 0 : i32
        %dma_start3A_55 = tpu.memref_slice %arg3[%add3A_43, %dma_start3A_54] : memref<320000x128xf32, #tpu.memory_space<hbm>> -> memref<80x128xf32, #tpu.memory_space<hbm>>
        %dma_start3A_56 = arith.constant 0 : i32
        %dma_start3A_57 = tpu.memref_slice %arg3[%add3A_43, %dma_start3A_56] : memref<320000x128xf32, #tpu.memory_space<hbm>> -> memref<80x128xf32, #tpu.memory_space<hbm>>
        tpu.enqueue_dma source(%dma_start3A_57 : memref<80x128xf32, #tpu.memory_space<hbm>>) target(%arg11 : memref<80x128xf32, #tpu.memory_space<vmem>>) target_semaphore(%run_scoped3A : memref<!tpu.dma_semaphore, #tpu.memory_space<semaphore_mem>>)
        %dma_wait3A_58 = arith.constant 0 : i32
        %dma_wait3A_59 = tpu.memref_slice %arg3[%add3A_43, %dma_wait3A_58] : memref<320000x128xf32, #tpu.memory_space<hbm>> -> memref<80x128xf32, #tpu.memory_space<hbm>>
        %dma_wait3A_60 = arith.constant 0 : i32
        %dma_wait3A_61 = tpu.memref_slice %arg3[%add3A_43, %dma_wait3A_60] : memref<320000x128xf32, #tpu.memory_space<hbm>> -> memref<80x128xf32, #tpu.memory_space<hbm>>
        tpu.wait_dma2 semaphore(%run_scoped3A : memref<!tpu.dma_semaphore, #tpu.memory_space<semaphore_mem>>) src(%dma_wait3A_61 : memref<80x128xf32, #tpu.memory_space<hbm>>) dst(%arg11 : memref<80x128xf32, #tpu.memory_space<vmem>>)
        tpu.yield
      }) : () -> ()
      %dma_wait3A = arith.constant 0 : i32
      %dma_wait3A_46 = arith.constant 0 : i32
      %dma_wait3A_47 = tpu.memref_slice %arg2[%dma_wait3A, %dma_wait3A_46] : memref<10000x128xf32, #tpu.memory_space<hbm>> -> memref<10000x128xf32, #tpu.memory_space<hbm>>
      tpu.wait_indirect_dma semaphore(%arg13 : memref<!tpu.dma_semaphore, #tpu.memory_space<semaphore_mem>>) src(%dma_wait3A_47 : memref<10000x128xf32, #tpu.memory_space<hbm>>) dst(%arg10 : memref<80x128xf32, #tpu.memory_space<vmem>>)
      %scan3A_48 = arith.constant 0 : i32
      %scan3A_49 = arith.constant 0 : i32
      %scan3A_50 = arith.constant 80 : i32
      %scan3A_51 = arith.addi %scan3A_49, %scan3A_50 : i32
      %scan3A_52 = arith.constant 1 : i32
      scf.for %scan3A_54 = %scan3A_49 to %scan3A_51 step %scan3A_52  : i32 {
        %get3A = arith.index_cast %scan3A_54 : i32 to index
        %get3A_55 = arith.constant 0 : index
        %get3A_56 = tpu.vector_load %arg10[%get3A, %get3A_55] {strides = array<i32>} : memref<80x128xf32, #tpu.memory_space<vmem>>, vector<1x16xf32>,
        %get3A_57 = vector.shape_cast %get3A_56 : vector<1x16xf32> to vector<16xf32>
        %get3A_58 = arith.index_cast %scan3A_54 : i32 to index
        %get3A_59 = arith.constant 0 : index
        %get3A_60 = tpu.vector_load %arg11[%get3A_58, %get3A_59] {strides = array<i32>} : memref<80x128xf32, #tpu.memory_space<vmem>>, vector<1x16xf32>,
        %get3A_61 = vector.shape_cast %get3A_60 : vector<1x16xf32> to vector<16xf32>
        %add3A_62 = arith.addf %get3A_57, %get3A_61 : vector<16xf32>
        %max3A = arith.constant 0.000000e+00 : f32
        %max3A_63 = vector.broadcast %max3A : f32 to vector<16xf32>
        %max3A_64 = arith.maximumf %add3A_62, %max3A_63 : vector<16xf32>
        %swap3A = arith.index_cast %scan3A_54 : i32 to index
        %swap3A_65 = arith.constant 0 : index
        %swap3A_66 = tpu.vector_load %arg11[%swap3A, %swap3A_65] {strides = array<i32>} : memref<80x128xf32, #tpu.memory_space<vmem>>, vector<1x16xf32>,
        %swap3A_67 = vector.shape_cast %swap3A_66 : vector<1x16xf32> to vector<16xf32>
        %swap3A_68 = vector.shape_cast %max3A_64 : vector<16xf32> to vector<1x16xf32>
        tpu.vector_store %arg11[%swap3A, %swap3A_65], %swap3A_68 {strides = array<i32>} : memref<80x128xf32, #tpu.memory_space<vmem>>, vector<1x16xf32>,
        %get3A_69 = arith.index_cast %scan3A_54 : i32 to index
        %get3A_70 = arith.constant 16 : index
        %get3A_71 = tpu.vector_load %arg10[%get3A_69, %get3A_70] {strides = array<i32>} : memref<80x128xf32, #tpu.memory_space<vmem>>, vector<1x16xf32>,
        %get3A_72 = vector.shape_cast %get3A_71 : vector<1x16xf32> to vector<16xf32>
        %get3A_73 = arith.index_cast %scan3A_54 : i32 to index
        %get3A_74 = arith.constant 16 : index
        %get3A_75 = tpu.vector_load %arg11[%get3A_73, %get3A_74] {strides = array<i32>} : memref<80x128xf32, #tpu.memory_space<vmem>>, vector<1x16xf32>,
        %get3A_76 = vector.shape_cast %get3A_75 : vector<1x16xf32> to vector<16xf32>
        %add3A_77 = arith.addf %get3A_72, %get3A_76 : vector<16xf32>
        %max3A_78 = arith.constant 0.000000e+00 : f32
        %max3A_79 = vector.broadcast %max3A_78 : f32 to vector<16xf32>
        %max3A_80 = arith.maximumf %add3A_77, %max3A_79 : vector<16xf32>
        %swap3A_81 = arith.index_cast %scan3A_54 : i32 to index
        %swap3A_82 = arith.constant 16 : index
        %swap3A_83 = tpu.vector_load %arg11[%swap3A_81, %swap3A_82] {strides = array<i32>} : memref<80x128xf32, #tpu.memory_space<vmem>>, vector<1x16xf32>,
        %swap3A_84 = vector.shape_cast %swap3A_83 : vector<1x16xf32> to vector<16xf32>
        %swap3A_85 = vector.shape_cast %max3A_80 : vector<16xf32> to vector<1x16xf32>
        tpu.vector_store %arg11[%swap3A_81, %swap3A_82], %swap3A_85 {strides = array<i32>} : memref<80x128xf32, #tpu.memory_space<vmem>>, vector<1x16xf32>,
        %get3A_86 = arith.index_cast %scan3A_54 : i32 to index
        %get3A_87 = arith.constant 32 : index
        %get3A_88 = tpu.vector_load %arg10[%get3A_86, %get3A_87] {strides = array<i32>} : memref<80x128xf32, #tpu.memory_space<vmem>>, vector<1x16xf32>,
        %get3A_89 = vector.shape_cast %get3A_88 : vector<1x16xf32> to vector<16xf32>
        %get3A_90 = arith.index_cast %scan3A_54 : i32 to index
        %get3A_91 = arith.constant 32 : index
        %get3A_92 = tpu.vector_load %arg11[%get3A_90, %get3A_91] {strides = array<i32>} : memref<80x128xf32, #tpu.memory_space<vmem>>, vector<1x16xf32>,
        %get3A_93 = vector.shape_cast %get3A_92 : vector<1x16xf32> to vector<16xf32>
        %add3A_94 = arith.addf %get3A_89, %get3A_93 : vector<16xf32>
        %max3A_95 = arith.constant 0.000000e+00 : f32
        %max3A_96 = vector.broadcast %max3A_95 : f32 to vector<16xf32>
        %max3A_97 = arith.maximumf %add3A_94, %max3A_96 : vector<16xf32>
        %swap3A_98 = arith.index_cast %scan3A_54 : i32 to index
        %swap3A_99 = arith.constant 32 : index
        %swap3A_100 = tpu.vector_load %arg11[%swap3A_98, %swap3A_99] {strides = array<i32>} : memref<80x128xf32, #tpu.memory_space<vmem>>, vector<1x16xf32>,
        %swap3A_101 = vector.shape_cast %swap3A_100 : vector<1x16xf32> to vector<16xf32>
        %swap3A_102 = vector.shape_cast %max3A_97 : vector<16xf32> to vector<1x16xf32>
        tpu.vector_store %arg11[%swap3A_98, %swap3A_99], %swap3A_102 {strides = array<i32>} : memref<80x128xf32, #tpu.memory_space<vmem>>, vector<1x16xf32>,
        %get3A_103 = arith.index_cast %scan3A_54 : i32 to index
        %get3A_104 = arith.constant 48 : index
        %get3A_105 = tpu.vector_load %arg10[%get3A_103, %get3A_104] {strides = array<i32>} : memref<80x128xf32, #tpu.memory_space<vmem>>, vector<1x16xf32>,
        %get3A_106 = vector.shape_cast %get3A_105 : vector<1x16xf32> to vector<16xf32>
        %get3A_107 = arith.index_cast %scan3A_54 : i32 to index
        %get3A_108 = arith.constant 48 : index
        %get3A_109 = tpu.vector_load %arg11[%get3A_107, %get3A_108] {strides = array<i32>} : memref<80x128xf32, #tpu.memory_space<vmem>>, vector<1x16xf32>,
        %get3A_110 = vector.shape_cast %get3A_109 : vector<1x16xf32> to vector<16xf32>
        %add3A_111 = arith.addf %get3A_106, %get3A_110 : vector<16xf32>
        %max3A_112 = arith.constant 0.000000e+00 : f32
        %max3A_113 = vector.broadcast %max3A_112 : f32 to vector<16xf32>
        %max3A_114 = arith.maximumf %add3A_111, %max3A_113 : vector<16xf32>
        %swap3A_115 = arith.index_cast %scan3A_54 : i32 to index
        %swap3A_116 = arith.constant 48 : index
        %swap3A_117 = tpu.vector_load %arg11[%swap3A_115, %swap3A_116] {strides = array<i32>} : memref<80x128xf32, #tpu.memory_space<vmem>>, vector<1x16xf32>,
        %swap3A_118 = vector.shape_cast %swap3A_117 : vector<1x16xf32> to vector<16xf32>
        %swap3A_119 = vector.shape_cast %max3A_114 : vector<16xf32> to vector<1x16xf32>
        tpu.vector_store %arg11[%swap3A_115, %swap3A_116], %swap3A_119 {strides = array<i32>} : memref<80x128xf32, #tpu.memory_space<vmem>>, vector<1x16xf32>,
        %get3A_120 = arith.index_cast %scan3A_54 : i32 to index
        %get3A_121 = arith.constant 64 : index
        %get3A_122 = tpu.vector_load %arg10[%get3A_120, %get3A_121] {strides = array<i32>} : memref<80x128xf32, #tpu.memory_space<vmem>>, vector<1x16xf32>,
        %get3A_123 = vector.shape_cast %get3A_122 : vector<1x16xf32> to vector<16xf32>
        %get3A_124 = arith.index_cast %scan3A_54 : i32 to index
        %get3A_125 = arith.constant 64 : index
        %get3A_126 = tpu.vector_load %arg11[%get3A_124, %get3A_125] {strides = array<i32>} : memref<80x128xf32, #tpu.memory_space<vmem>>, vector<1x16xf32>,
        %get3A_127 = vector.shape_cast %get3A_126 : vector<1x16xf32> to vector<16xf32>
        %add3A_128 = arith.addf %get3A_123, %get3A_127 : vector<16xf32>
        %max3A_129 = arith.constant 0.000000e+00 : f32
        %max3A_130 = vector.broadcast %max3A_129 : f32 to vector<16xf32>
        %max3A_131 = arith.maximumf %add3A_128, %max3A_130 : vector<16xf32>
        %swap3A_132 = arith.index_cast %scan3A_54 : i32 to index
        %swap3A_133 = arith.constant 64 : index
        %swap3A_134 = tpu.vector_load %arg11[%swap3A_132, %swap3A_133] {strides = array<i32>} : memref<80x128xf32, #tpu.memory_space<vmem>>, vector<1x16xf32>,
        %swap3A_135 = vector.shape_cast %swap3A_134 : vector<1x16xf32> to vector<16xf32>
        %swap3A_136 = vector.shape_cast %max3A_131 : vector<16xf32> to vector<1x16xf32>
        tpu.vector_store %arg11[%swap3A_132, %swap3A_133], %swap3A_136 {strides = array<i32>} : memref<80x128xf32, #tpu.memory_space<vmem>>, vector<1x16xf32>,
        %get3A_137 = arith.index_cast %scan3A_54 : i32 to index
        %get3A_138 = arith.constant 80 : index
        %get3A_139 = tpu.vector_load %arg10[%get3A_137, %get3A_138] {strides = array<i32>} : memref<80x128xf32, #tpu.memory_space<vmem>>, vector<1x16xf32>,
        %get3A_140 = vector.shape_cast %get3A_139 : vector<1x16xf32> to vector<16xf32>
        %get3A_141 = arith.index_cast %scan3A_54 : i32 to index
        %get3A_142 = arith.constant 80 : index
        %get3A_143 = tpu.vector_load %arg11[%get3A_141, %get3A_142] {strides = array<i32>} : memref<80x128xf32, #tpu.memory_space<vmem>>, vector<1x16xf32>,
        %get3A_144 = vector.shape_cast %get3A_143 : vector<1x16xf32> to vector<16xf32>
        %add3A_145 = arith.addf %get3A_140, %get3A_144 : vector<16xf32>
        %max3A_146 = arith.constant 0.000000e+00 : f32
        %max3A_147 = vector.broadcast %max3A_146 : f32 to vector<16xf32>
        %max3A_148 = arith.maximumf %add3A_145, %max3A_147 : vector<16xf32>
        %swap3A_149 = arith.index_cast %scan3A_54 : i32 to index
        %swap3A_150 = arith.constant 80 : index
        %swap3A_151 = tpu.vector_load %arg11[%swap3A_149, %swap3A_150] {strides = array<i32>} : memref<80x128xf32, #tpu.memory_space<vmem>>, vector<1x16xf32>,
        %swap3A_152 = vector.shape_cast %swap3A_151 : vector<1x16xf32> to vector<16xf32>
        %swap3A_153 = vector.shape_cast %max3A_148 : vector<16xf32> to vector<1x16xf32>
        tpu.vector_store %arg11[%swap3A_149, %swap3A_150], %swap3A_153 {strides = array<i32>} : memref<80x128xf32, #tpu.memory_space<vmem>>, vector<1x16xf32>,
        %get3A_154 = arith.index_cast %scan3A_54 : i32 to index
        %get3A_155 = arith.constant 96 : index
        %get3A_156 = tpu.vector_load %arg10[%get3A_154, %get3A_155] {strides = array<i32>} : memref<80x128xf32, #tpu.memory_space<vmem>>, vector<1x16xf32>,
        %get3A_157 = vector.shape_cast %get3A_156 : vector<1x16xf32> to vector<16xf32>
        %get3A_158 = arith.index_cast %scan3A_54 : i32 to index
        %get3A_159 = arith.constant 96 : index
        %get3A_160 = tpu.vector_load %arg11[%get3A_158, %get3A_159] {strides = array<i32>} : memref<80x128xf32, #tpu.memory_space<vmem>>, vector<1x16xf32>,
        %get3A_161 = vector.shape_cast %get3A_160 : vector<1x16xf32> to vector<16xf32>
        %add3A_162 = arith.addf %get3A_157, %get3A_161 : vector<16xf32>
        %max3A_163 = arith.constant 0.000000e+00 : f32
        %max3A_164 = vector.broadcast %max3A_163 : f32 to vector<16xf32>
        %max3A_165 = arith.maximumf %add3A_162, %max3A_164 : vector<16xf32>
        %swap3A_166 = arith.index_cast %scan3A_54 : i32 to index
        %swap3A_167 = arith.constant 96 : index
        %swap3A_168 = tpu.vector_load %arg11[%swap3A_166, %swap3A_167] {strides = array<i32>} : memref<80x128xf32, #tpu.memory_space<vmem>>, vector<1x16xf32>,
        %swap3A_169 = vector.shape_cast %swap3A_168 : vector<1x16xf32> to vector<16xf32>
        %swap3A_170 = vector.shape_cast %max3A_165 : vector<16xf32> to vector<1x16xf32>
        tpu.vector_store %arg11[%swap3A_166, %swap3A_167], %swap3A_170 {strides = array<i32>} : memref<80x128xf32, #tpu.memory_space<vmem>>, vector<1x16xf32>,
        %get3A_171 = arith.index_cast %scan3A_54 : i32 to index
        %get3A_172 = arith.constant 112 : index
        %get3A_173 = tpu.vector_load %arg10[%get3A_171, %get3A_172] {strides = array<i32>} : memref<80x128xf32, #tpu.memory_space<vmem>>, vector<1x16xf32>,
        %get3A_174 = vector.shape_cast %get3A_173 : vector<1x16xf32> to vector<16xf32>
        %get3A_175 = arith.index_cast %scan3A_54 : i32 to index
        %get3A_176 = arith.constant 112 : index
        %get3A_177 = tpu.vector_load %arg11[%get3A_175, %get3A_176] {strides = array<i32>} : memref<80x128xf32, #tpu.memory_space<vmem>>, vector<1x16xf32>,
        %get3A_178 = vector.shape_cast %get3A_177 : vector<1x16xf32> to vector<16xf32>
        %add3A_179 = arith.addf %get3A_174, %get3A_178 : vector<16xf32>
        %max3A_180 = arith.constant 0.000000e+00 : f32
        %max3A_181 = vector.broadcast %max3A_180 : f32 to vector<16xf32>
        %max3A_182 = arith.maximumf %add3A_179, %max3A_181 : vector<16xf32>
        %swap3A_183 = arith.index_cast %scan3A_54 : i32 to index
        %swap3A_184 = arith.constant 112 : index
        %swap3A_185 = tpu.vector_load %arg11[%swap3A_183, %swap3A_184] {strides = array<i32>} : memref<80x128xf32, #tpu.memory_space<vmem>>, vector<1x16xf32>,
        %swap3A_186 = vector.shape_cast %swap3A_185 : vector<1x16xf32> to vector<16xf32>
        %swap3A_187 = vector.shape_cast %max3A_182 : vector<16xf32> to vector<1x16xf32>
        tpu.vector_store %arg11[%swap3A_183, %swap3A_184], %swap3A_187 {strides = array<i32>} : memref<80x128xf32, #tpu.memory_space<vmem>>, vector<1x16xf32>,
      }
      %scan3A_53 = arith.constant 80 : i32
      "tpu.region"() ({
        %run_scoped3A = tpu.sem_alloc : memref<!tpu.dma_semaphore, #tpu.memory_space<semaphore_mem>>
        %dma_start3A_54 = arith.constant 0 : i32
        %dma_start3A_55 = arith.constant 0 : i32
        %dma_start3A_56 = tpu.memref_slice %arg7[%dma_start3A_54, %dma_start3A_55] : memref<10240x128xf32, #tpu.memory_space<vmem_shared>> -> memref<10240x128xf32, #tpu.memory_space<vmem_shared>>
        tpu.enqueue_indirect_dma source(%arg11 : memref<80x128xf32, #tpu.memory_space<vmem>>) target(%dma_start3A_56 : memref<10240x128xf32, #tpu.memory_space<vmem_shared>>) offsets(%arg9 : memref<80xi32, #tpu.memory_space<vmem>>) semaphore(%run_scoped3A : memref<!tpu.dma_semaphore, #tpu.memory_space<semaphore_mem>>) {add = true}
        %dma_wait3A_57 = arith.constant 0 : i32
        %dma_wait3A_58 = arith.constant 0 : i32
        %dma_wait3A_59 = tpu.memref_slice %arg7[%dma_wait3A_57, %dma_wait3A_58] : memref<10240x128xf32, #tpu.memory_space<vmem_shared>> -> memref<10240x128xf32, #tpu.memory_space<vmem_shared>>
        tpu.wait_indirect_dma semaphore(%run_scoped3A : memref<!tpu.dma_semaphore, #tpu.memory_space<semaphore_mem>>) src(%arg11 : memref<80x128xf32, #tpu.memory_space<vmem>>) dst(%dma_wait3A_59 : memref<10240x128xf32, #tpu.memory_space<vmem_shared>>)
        tpu.yield
      }) : () -> ()
    }
    %scan3A_32 = arith.constant 125 : i32
    %barrier3A_33 = arith.constant 0 : index
    tpu.barrier barrier_id(%barrier3A_33)
    %mul3A_34 = arith.constant 640 : i32
    %mul3A_35 = arith.muli %arg1, %mul3A_34 : i32
    %mul3A_36 = arith.constant 640 : i32
    %mul3A_37 = arith.muli %arg1, %mul3A_36 : i32
    "tpu.region"() ({
      %run_scoped3A = tpu.sem_alloc : memref<!tpu.dma_semaphore, #tpu.memory_space<semaphore_mem>>
      %dma_start3A = arith.constant 0 : i32
      %dma_start3A_38 = tpu.memref_slice %arg6[%arg0, %mul3A_37, %dma_start3A] : memref<2x10240x128xf32, #tpu.memory_space<hbm>> -> memref<1x640x128xf32, #tpu.memory_space<hbm>>
      %dma_start3A_39 = tpu.memref_squeeze %dma_start3A_38 : memref<1x640x128xf32, #tpu.memory_space<hbm>> -> memref<640x128xf32, #tpu.memory_space<hbm>>
      %dma_start3A_40 = arith.constant 0 : i32
      %dma_start3A_41 = tpu.memref_slice %arg7[%mul3A_35, %dma_start3A_40] : memref<10240x128xf32, #tpu.memory_space<vmem_shared>> -> memref<640x128xf32, #tpu.memory_space<vmem_shared>>
      tpu.enqueue_dma source(%dma_start3A_41 : memref<640x128xf32, #tpu.memory_space<vmem_shared>>) target(%dma_start3A_39 : memref<640x128xf32, #tpu.memory_space<hbm>>) target_semaphore(%run_scoped3A : memref<!tpu.dma_semaphore, #tpu.memory_space<semaphore_mem>>)
      %dma_wait3A = arith.constant 0 : i32
      %dma_wait3A_42 = tpu.memref_slice %arg6[%arg0, %mul3A_37, %dma_wait3A] : memref<2x10240x128xf32, #tpu.memory_space<hbm>> -> memref<1x640x128xf32, #tpu.memory_space<hbm>>
      %dma_wait3A_43 = tpu.memref_squeeze %dma_wait3A_42 : memref<1x640x128xf32, #tpu.memory_space<hbm>> -> memref<640x128xf32, #tpu.memory_space<hbm>>
      %dma_wait3A_44 = arith.constant 0 : i32
      %dma_wait3A_45 = tpu.memref_slice %arg7[%mul3A_35, %dma_wait3A_44] : memref<10240x128xf32, #tpu.memory_space<vmem_shared>> -> memref<640x128xf32, #tpu.memory_space<vmem_shared>>
      tpu.wait_dma2 semaphore(%run_scoped3A : memref<!tpu.dma_semaphore, #tpu.memory_space<semaphore_mem>>) src(%dma_wait3A_45 : memref<640x128xf32, #tpu.memory_space<vmem_shared>>) dst(%dma_wait3A_43 : memref<640x128xf32, #tpu.memory_space<hbm>>)
      tpu.yield
    }) : () -> ()
    return
  }
}

module attributes {stable_mosaic.version = 14 : i64} {
  func.func @_edge_mlp_body(%arg0: i32, %arg1: memref<2000x16xf32, #tpu.memory_space<vmem>>, %arg2: memref<16x128xf32, #tpu.memory_space<vmem>>, %arg3: memref<1x128xf32, #tpu.memory_space<vmem>>, %arg4: memref<2000x128xf32, #tpu.memory_space<vmem>>) attributes {dimension_semantics = [#tpu.dimension_semantics<arbitrary>], iteration_bounds = array<i64: 160>, scalar_prefetch = 0 : i64, scratch_operands = 0 : i64, tpu.core_type = #tpu.core_type<tc>, window_params = [{transform_indices = @transform_0, window_bounds = array<i64: 2000, 16>}, {pipeline_mode = #tpu.pipeline_mode<synchronous>, transform_indices = @transform_1, window_bounds = array<i64: 16, 128>}, {pipeline_mode = #tpu.pipeline_mode<synchronous>, transform_indices = @transform_2, window_bounds = array<i64: 1, 128>}, {transform_indices = @transform_3, window_bounds = array<i64: 2000, 128>}]} {
    %get3A = arith.constant 0 : index
    %get3A_0 = arith.constant 0 : index
    %get3A_1 = vector.load %arg1[%get3A, %get3A_0] : memref<2000x16xf32, #tpu.memory_space<vmem>>, vector<2000x16xf32>
    %get3A_2 = arith.constant 0 : index
    %get3A_3 = arith.constant 0 : index
    %get3A_4 = vector.load %arg2[%get3A_2, %get3A_3] : memref<16x128xf32, #tpu.memory_space<vmem>>, vector<16x128xf32>
    %dot_general3A = arith.constant dense<0.000000e+00> : vector<2000x128xf32>
    %dot_general3A_5 = tpu.matmul %get3A_1, %get3A_4, %dot_general3A {dimension_numbers = #tpu.dot_dimension_numbers<[1], [0], [0], [1], [0, 0, 1, 1], [], []>, transpose_lhs_hint = false} : vector<2000x16xf32>, vector<16x128xf32>, vector<2000x128xf32> -> vector<2000x128xf32>
    %get3A_6 = arith.constant 0 : index
    %get3A_7 = arith.constant 0 : index
    %get3A_8 = vector.load %arg3[%get3A_6, %get3A_7] : memref<1x128xf32, #tpu.memory_space<vmem>>, vector<1x128xf32>
    %add3A = vector.broadcast %get3A_8 : vector<1x128xf32> to vector<2000x128xf32>
    %add3A_9 = arith.addf %dot_general3A_5, %add3A : vector<2000x128xf32>
    %swap3A = arith.constant 0 : index
    %swap3A_10 = arith.constant 0 : index
    %swap3A_11 = vector.load %arg4[%swap3A, %swap3A_10] : memref<2000x128xf32, #tpu.memory_space<vmem>>, vector<2000x128xf32>
    tpu.vector_store %arg4[%swap3A, %swap3A_10], %add3A_9 {strides = array<i32>} : memref<2000x128xf32, #tpu.memory_space<vmem>>, vector<2000x128xf32>,
    return
  }
  func.func @transform_0(%arg0: i32) -> (i32, i32) {
    %c0_i32 = arith.constant 0 : i32
    %c0_i32_0 = arith.constant 0 : i32
    return %arg0, %c0_i32 : i32, i32
  }
  func.func @transform_1(%arg0: i32) -> (i32, i32) {
    %c0_i32 = arith.constant 0 : i32
    %c0_i32_0 = arith.constant 0 : i32
    %c0_i32_1 = arith.constant 0 : i32
    return %c0_i32, %c0_i32_0 : i32, i32
  }
  func.func @transform_2(%arg0: i32) -> (i32, i32) {
    %c0_i32 = arith.constant 0 : i32
    %c0_i32_0 = arith.constant 0 : i32
    %c0_i32_1 = arith.constant 0 : i32
    return %c0_i32, %c0_i32_0 : i32, i32
  }
  func.func @transform_3(%arg0: i32) -> (i32, i32) {
    %c0_i32 = arith.constant 0 : i32
    %c0_i32_0 = arith.constant 0 : i32
    return %arg0, %c0_i32 : i32, i32
  }
}

module attributes {stable_mosaic.version = 14 : i64} {
  func.func @_node_body(%arg0: i32, %arg1: memref<2000x128xf32, #tpu.memory_space<vmem>>, %arg2: memref<2x2000x128xf32, #tpu.memory_space<vmem>>, %arg3: memref<128x128xf32, #tpu.memory_space<vmem>>, %arg4: memref<1x128xf32, #tpu.memory_space<vmem>>, %arg5: memref<2000x128xf32, #tpu.memory_space<vmem>>) attributes {dimension_semantics = [#tpu.dimension_semantics<arbitrary>], iteration_bounds = array<i64: 5>, scalar_prefetch = 0 : i64, scratch_operands = 0 : i64, tpu.core_type = #tpu.core_type<tc>, window_params = [{transform_indices = @transform_0, window_bounds = array<i64: 2000, 128>}, {transform_indices = @transform_1, window_bounds = array<i64: 2, 2000, 128>}, {pipeline_mode = #tpu.pipeline_mode<synchronous>, transform_indices = @transform_2, window_bounds = array<i64: 128, 128>}, {pipeline_mode = #tpu.pipeline_mode<synchronous>, transform_indices = @transform_3, window_bounds = array<i64: 1, 128>}, {transform_indices = @transform_4, window_bounds = array<i64: 2000, 128>}]} {
    %get3A = arith.constant 0 : index
    %get3A_0 = arith.constant 0 : index
    %get3A_1 = vector.load %arg1[%get3A, %get3A_0] : memref<2000x128xf32, #tpu.memory_space<vmem>>, vector<2000x128xf32>
    %get3A_2 = arith.constant 0 : index
    %get3A_3 = arith.constant 0 : index
    %get3A_4 = arith.constant 0 : index
    %get3A_5 = vector.load %arg2[%get3A_2, %get3A_3, %get3A_4] : memref<2x2000x128xf32, #tpu.memory_space<vmem>>, vector<1x2000x128xf32>
    %get3A_6 = vector.shape_cast %get3A_5 : vector<1x2000x128xf32> to vector<2000x128xf32>
    %add3A = arith.addf %get3A_1, %get3A_6 : vector<2000x128xf32>
    %get3A_7 = arith.constant 1 : index
    %get3A_8 = arith.constant 0 : index
    %get3A_9 = arith.constant 0 : index
    %get3A_10 = vector.load %arg2[%get3A_7, %get3A_8, %get3A_9] : memref<2x2000x128xf32, #tpu.memory_space<vmem>>, vector<1x2000x128xf32>
    %get3A_11 = vector.shape_cast %get3A_10 : vector<1x2000x128xf32> to vector<2000x128xf32>
    %add3A_12 = arith.addf %add3A, %get3A_11 : vector<2000x128xf32>
    %get3A_13 = arith.constant 0 : index
    %get3A_14 = arith.constant 0 : index
    %get3A_15 = vector.load %arg3[%get3A_13, %get3A_14] : memref<128x128xf32, #tpu.memory_space<vmem>>, vector<128x128xf32>
    %dot_general3A = arith.constant dense<0.000000e+00> : vector<2000x128xf32>
    %dot_general3A_16 = tpu.matmul %add3A_12, %get3A_15, %dot_general3A {dimension_numbers = #tpu.dot_dimension_numbers<[1], [0], [0], [1], [0, 0, 1, 1], [], []>, transpose_lhs_hint = false} : vector<2000x128xf32>, vector<128x128xf32>, vector<2000x128xf32> -> vector<2000x128xf32>
    %get3A_17 = arith.constant 0 : index
    %get3A_18 = arith.constant 0 : index
    %get3A_19 = vector.load %arg4[%get3A_17, %get3A_18] : memref<1x128xf32, #tpu.memory_space<vmem>>, vector<1x128xf32>
    %add3A_20 = vector.broadcast %get3A_19 : vector<1x128xf32> to vector<2000x128xf32>
    %add3A_21 = arith.addf %dot_general3A_16, %add3A_20 : vector<2000x128xf32>
    %integer_pow3A = arith.mulf %add3A_21, %add3A_21 : vector<2000x128xf32>
    %integer_pow3A_22 = arith.mulf %add3A_21, %integer_pow3A : vector<2000x128xf32>
    %mul3A = arith.constant 4.471500e-02 : f32
    %mul3A_23 = vector.broadcast %mul3A : f32 to vector<2000x128xf32>
    %mul3A_24 = arith.mulf %mul3A_23, %integer_pow3A_22 : vector<2000x128xf32>
    %add3A_25 = arith.addf %add3A_21, %mul3A_24 : vector<2000x128xf32>
    %mul3A_26 = arith.constant 0.797884583 : f32
    %mul3A_27 = vector.broadcast %mul3A_26 : f32 to vector<2000x128xf32>
    %mul3A_28 = arith.mulf %mul3A_27, %add3A_25 : vector<2000x128xf32>
    %tanh3A = math.tanh %mul3A_28 : vector<2000x128xf32>
    %add3A_29 = arith.constant 1.000000e+00 : f32
    %add3A_30 = vector.broadcast %add3A_29 : f32 to vector<2000x128xf32>
    %add3A_31 = arith.addf %add3A_30, %tanh3A : vector<2000x128xf32>
    %mul3A_32 = arith.constant 5.000000e-01 : f32
    %mul3A_33 = vector.broadcast %mul3A_32 : f32 to vector<2000x128xf32>
    %mul3A_34 = arith.mulf %mul3A_33, %add3A_31 : vector<2000x128xf32>
    %mul3A_35 = arith.mulf %add3A_21, %mul3A_34 : vector<2000x128xf32>
    %swap3A = arith.constant 0 : index
    %swap3A_36 = arith.constant 0 : index
    %swap3A_37 = vector.load %arg5[%swap3A, %swap3A_36] : memref<2000x128xf32, #tpu.memory_space<vmem>>, vector<2000x128xf32>
    tpu.vector_store %arg5[%swap3A, %swap3A_36], %mul3A_35 {strides = array<i32>} : memref<2000x128xf32, #tpu.memory_space<vmem>>, vector<2000x128xf32>,
    return
  }
  func.func @transform_0(%arg0: i32) -> (i32, i32) {
    %c0_i32 = arith.constant 0 : i32
    %c0_i32_0 = arith.constant 0 : i32
    return %arg0, %c0_i32 : i32, i32
  }
  func.func @transform_1(%arg0: i32) -> (i32, i32, i32) {
    %c0_i32 = arith.constant 0 : i32
    %c0_i32_0 = arith.constant 0 : i32
    %c0_i32_1 = arith.constant 0 : i32
    return %c0_i32, %arg0, %c0_i32_0 : i32, i32, i32
  }
  func.func @transform_2(%arg0: i32) -> (i32, i32) {
    %c0_i32 = arith.constant 0 : i32
    %c0_i32_0 = arith.constant 0 : i32
    %c0_i32_1 = arith.constant 0 : i32
    return %c0_i32, %c0_i32_0 : i32, i32
  }
  func.func @transform_3(%arg0: i32) -> (i32, i32) {
    %c0_i32 = arith.constant 0 : i32
    %c0_i32_0 = arith.constant 0 : i32
    %c0_i32_1 = arith.constant 0 : i32
    return %c0_i32, %c0_i32_0 : i32, i32
  }
  func.func @transform_4(%arg0: i32) -> (i32, i32) {
    %c0_i32 = arith.constant 0 : i32
    %c0_i32_0 = arith.constant 0 : i32
    return %arg0, %c0_i32 : i32, i32
  }
}

module attributes {stable_mosaic.version = 14 : i64} {
  func.func @_head_body(%arg0: memref<10000x128xf32, #tpu.memory_space<vmem>>, %arg1: memref<10000x1xi32, #tpu.memory_space<vmem>>, %arg2: memref<128x64xf32, #tpu.memory_space<vmem>>, %arg3: memref<1x64xf32, #tpu.memory_space<vmem>>, %arg4: memref<64x1xf32, #tpu.memory_space<vmem>>, %arg5: memref<1x1xf32, #tpu.memory_space<vmem>>, %arg6: memref<64x1xf32, #tpu.memory_space<vmem>>) attributes {dimension_semantics = [], scalar_prefetch = 0 : i64, scratch_operands = 0 : i64, tpu.core_type = #tpu.core_type<tc>} {
    %get3A = arith.constant 0 : index
    %get3A_0 = arith.constant 0 : index
    %get3A_1 = vector.load %arg1[%get3A, %get3A_0] : memref<10000x1xi32, #tpu.memory_space<vmem>>, vector<10000x1xi32>
    %iota3A = tpu.iota {dimensions = array<i32: 1>} : vector<1x64xi32>
    %eq3A = vector.broadcast %get3A_1 : vector<10000x1xi32> to vector<10000x64xi32>
    %eq3A_2 = vector.broadcast %iota3A : vector<1x64xi32> to vector<10000x64xi32>
    %eq3A_3 = arith.cmpi eq, %eq3A, %eq3A_2 : vector<10000x64xi32>
    %convert_element_type3A = arith.extui %eq3A_3 : vector<10000x64xi1> to vector<10000x64xi32>
    %convert_element_type3A_4 = arith.sitofp %convert_element_type3A : vector<10000x64xi32> to vector<10000x64xf32>
    %get3A_5 = arith.constant 0 : index
    %get3A_6 = arith.constant 0 : index
    %get3A_7 = vector.load %arg0[%get3A_5, %get3A_6] : memref<10000x128xf32, #tpu.memory_space<vmem>>, vector<10000x128xf32>
    %dot_general3A = arith.constant dense<0.000000e+00> : vector<64x128xf32>
    %dot_general3A_8 = tpu.matmul %convert_element_type3A_4, %get3A_7, %dot_general3A {dimension_numbers = #tpu.dot_dimension_numbers<[0], [0], [1], [1], [0, 1, 1, 1], [], []>, transpose_lhs_hint = false} : vector<10000x64xf32>, vector<10000x128xf32>, vector<64x128xf32> -> vector<64x128xf32>
    %reduce_sum3A = arith.constant dense<0.000000e+00> : vector<64xf32>
    %reduce_sum3A_9 = vector.multi_reduction <add>, %convert_element_type3A_4, %reduce_sum3A [0] : vector<10000x64xf32> to vector<64xf32>
    %max3A = arith.constant 1.000000e+00 : f32
    %max3A_10 = vector.broadcast %max3A : f32 to vector<64xf32>
    %max3A_11 = arith.maximumf %reduce_sum3A_9, %max3A_10 : vector<64xf32>
    %broadcast_in_dim3A = vector.shape_cast %max3A_11 : vector<64xf32> to vector<64x1xf32>
    %div3A = vector.broadcast %broadcast_in_dim3A : vector<64x1xf32> to vector<64x128xf32>
    %div3A_12 = arith.divf %dot_general3A_8, %div3A : vector<64x128xf32>
    %get3A_13 = arith.constant 0 : index
    %get3A_14 = arith.constant 0 : index
    %get3A_15 = vector.load %arg2[%get3A_13, %get3A_14] : memref<128x64xf32, #tpu.memory_space<vmem>>, vector<128x64xf32>
    %dot_general3A_16 = arith.constant dense<0.000000e+00> : vector<64x64xf32>
    %dot_general3A_17 = tpu.matmul %div3A_12, %get3A_15, %dot_general3A_16 {dimension_numbers = #tpu.dot_dimension_numbers<[1], [0], [0], [1], [0, 0, 1, 1], [], []>, transpose_lhs_hint = false} : vector<64x128xf32>, vector<128x64xf32>, vector<64x64xf32> -> vector<64x64xf32>
    %get3A_18 = arith.constant 0 : index
    %get3A_19 = arith.constant 0 : index
    %get3A_20 = vector.load %arg3[%get3A_18, %get3A_19] : memref<1x64xf32, #tpu.memory_space<vmem>>, vector<1x64xf32>
    %add3A = vector.broadcast %get3A_20 : vector<1x64xf32> to vector<64x64xf32>
    %add3A_21 = arith.addf %dot_general3A_17, %add3A : vector<64x64xf32>
    %integer_pow3A = arith.mulf %add3A_21, %add3A_21 : vector<64x64xf32>
    %integer_pow3A_22 = arith.mulf %add3A_21, %integer_pow3A : vector<64x64xf32>
    %mul3A = arith.constant 4.471500e-02 : f32
    %mul3A_23 = vector.broadcast %mul3A : f32 to vector<64x64xf32>
    %mul3A_24 = arith.mulf %mul3A_23, %integer_pow3A_22 : vector<64x64xf32>
    %add3A_25 = arith.addf %add3A_21, %mul3A_24 : vector<64x64xf32>
    %mul3A_26 = arith.constant 0.797884583 : f32
    %mul3A_27 = vector.broadcast %mul3A_26 : f32 to vector<64x64xf32>
    %mul3A_28 = arith.mulf %mul3A_27, %add3A_25 : vector<64x64xf32>
    %tanh3A = math.tanh %mul3A_28 : vector<64x64xf32>
    %add3A_29 = arith.constant 1.000000e+00 : f32
    %add3A_30 = vector.broadcast %add3A_29 : f32 to vector<64x64xf32>
    %add3A_31 = arith.addf %add3A_30, %tanh3A : vector<64x64xf32>
    %mul3A_32 = arith.constant 5.000000e-01 : f32
    %mul3A_33 = vector.broadcast %mul3A_32 : f32 to vector<64x64xf32>
    %mul3A_34 = arith.mulf %mul3A_33, %add3A_31 : vector<64x64xf32>
    %mul3A_35 = arith.mulf %add3A_21, %mul3A_34 : vector<64x64xf32>
    %get3A_36 = arith.constant 0 : index
    %get3A_37 = arith.constant 0 : index
    %get3A_38 = vector.load %arg4[%get3A_36, %get3A_37] : memref<64x1xf32, #tpu.memory_space<vmem>>, vector<64x1xf32>
    %dot_general3A_39 = arith.constant dense<0.000000e+00> : vector<64x1xf32>
    %dot_general3A_40 = tpu.matmul %mul3A_35, %get3A_38, %dot_general3A_39 {dimension_numbers = #tpu.dot_dimension_numbers<[1], [0], [0], [1], [0, 0, 1, 1], [], []>, transpose_lhs_hint = false} : vector<64x64xf32>, vector<64x1xf32>, vector<64x1xf32> -> vector<64x1xf32>
    %get3A_41 = arith.constant 0 : index
    %get3A_42 = arith.constant 0 : index
    %get3A_43 = vector.load %arg5[%get3A_41, %get3A_42] : memref<1x1xf32, #tpu.memory_space<vmem>>, vector<1x1xf32>
    %add3A_44 = vector.broadcast %get3A_43 : vector<1x1xf32> to vector<64x1xf32>
    %add3A_45 = arith.addf %dot_general3A_40, %add3A_44 : vector<64x1xf32>
    %swap3A = arith.constant 0 : index
    %swap3A_46 = arith.constant 0 : index
    %swap3A_47 = vector.load %arg6[%swap3A, %swap3A_46] : memref<64x1xf32, #tpu.memory_space<vmem>>, vector<64x1xf32>
    tpu.vector_store %arg6[%swap3A, %swap3A_46], %add3A_45 {strides = array<i32>} : memref<64x1xf32, #tpu.memory_space<vmem>>, vector<64x1xf32>,
    return
  }
}

</mosaic_0001>

<sc_bundles>
// kernel: kernel.12.cloned.1.call-start
scs
__scs_entry_jumppad:
0x0: {  	(pc) =	sbr.rel $0x88, $3  }
0x1: {  	(tag) =	ssettag $0x0;
	lr =	simm.s32 $0x1  }
0x2: {  	[smem:$0x3F8D] =	sst lr;
	_ =	strace $0xD0000000  }
0x3: {  	_ = 	snop  }
0x4: {  	_ = 	snop  }
0x5: {  	_ = 	snop  }
0x6: {  	_ = 	snop  }
0x7: {  	_ = 	snop  }
__scs_overlays_trampoline_lowered:
0x8: {  	[smem:$0x3F9C] =	sst s0  }
0x9: {  	[smem:$0x3F9D] =	sst s1  }
0xa: {  	[smem:$0x3F9E] =	sst s2  }
0xb: {  	[smem:$0x3F9F] =	sst s3  }
0xc: {  	[smem:$0x3FA0] =	sst s4  }
0xd: {  	[smem:$0x3FA1] =	sst s5  }
0xe: {  	[smem:$0x3FA2] =	sst s6  }
0xf: {  	[smem:$0x3FA3] =	sst s7  }
0x10: {  	[smem:$0x3FA4] =	sst s8  }
0x11: {  	[smem:$0x3FA5] =	sst s9;
	s0 =	simm.s32 @!p0 $0x0  }
0x12: {  	s1 =	sld [smem:$0x3F8B];
	s0 =	simm.s32 @p0 $0x1  }
0x13: {  	[smem:$0x3FA6] =	sst s0;
	s0 =	simm.s32 @!p1 $0x0  }
0x14: {  	s2 =	sld [smem:$0x3F8A];
	s0 =	simm.s32 @p1 $0x1  }
0x15: {  	[smem:$0x3FA7] =	sst s0;
	s0 =	simm.s32 @!p2 $0x0  }
0x16: {  	s3 =	sld [smem:$0x3FDB];
	s0 =	simm.s32 @p2 $0x1  }
0x17: {  	s4 =	simm.s32 $0x1BF5;
	[smem:$0x3FA9] =	sst s0  }
0x18: {  	s0 =	sld [smem:$0x3F8C];
	_ =	swait.ge [sflag:s4], $0x0  }
0x19: {  	s7 =	sld [smem:$0x3F8D]  }
0x1a: {  	s8 =	sadd.s32 $0xFFFFE003, lr  }
0x1b: {  	s9 =	sadd.s32 $0xFFFFFEF7, lr;
	s5 =	simm.s32 $0xFFFFFFFF;
	p2 =	slt.u32 s8, $0xFFFFF086  }
0x1c: {  	p1 =	slt.u32 s9, $0xF7A;
	s5 =	simm.s32 @!p2 $0x0  }
0x1d: {  	s5 =	simm.s32 @p1 $0x1;
	p0 =	seq.s32 s7, s2  }
0x1e: {  	s7 =	smul.u32 @!p0 $0xF7A, s2;
	p2 =	seq.s32 @!p0 s5, $0x0  }
0x1f: {  	s9 =	smul.u32 $0xF7A, s1;
	s8 =	simm.s32 @!p0 $0x1BF5;
	p2 =	por !p2, p0  }
0x20: {  	[sflag:s8] =	ssyncset.s32 @!p0 $0xFFFFF086;
	s6 =	sadd.s32 @!p0 s3, s7;
	s7 =	simm.s32 @!p0 $0x108  }
0x21: {  	s3 =	sadd.s32 s3, s9;
	s6 =	sadd.s32 @!p0 $0x88, s6;
	s7 =	simm.s32 @p2 $0x1082  }
0x22: {  	[simem:s7], [sflag:s8] =	dma.local @!p0 [hbm:s6], $0xF7A  }
0x23: {  	s9 =	sor.u32 $0xD0000000, s2;
	s6 =	simm.s32 $0x108;
	_ =	swait.ge @!p0 [sflag:s8], $0x0  }
0x24: {  	s3 =	sadd.s32 $0x88, s3;
	s6 =	simm.s32 @!p1 $0x1082;
	[sflag:s4] =	ssyncset.s32 $0xFFFFF086  }
0x25: {  	[simem:s6], [sflag:s4] =	dma.local [hbm:s3], $0xF7A  }
0x26: {  	[smem:$0x3F8D] =	sst s1;
	(tag) =	ssettag s2;
	_ =	strace s9  }
0x27: {  	s1 =	sld [smem:$0x3F9D]  }
0x28: {  	s2 =	sld [smem:$0x3F9E]  }
0x29: {  	s4 =	sld [smem:$0x3FA0]  }
0x2a: {  	p0 =	seq.s32 s5, $0x0;
	s5 =	sld [smem:$0x3FA1]  }
0x2b: {  	s6 =	sld [smem:$0x3FA2]  }
0x2c: {  	s7 =	sld [smem:$0x3FA3]  }
0x2d: {  	s3 =	simm.s32 $0x108;
	s8 =	sld [smem:$0x3FA4]  }
0x2e: {  	s3 =	simm.s32 @!p0 $0x1082;
	s9 =	sld [smem:$0x3FA5]  }
0x2f: {  	lr =	sadd.s32 s0, s3;
	s0 =	sld [smem:$0x3F9C]  }
0x30: {  	s3 =	sld [smem:$0x3F9F]  }
0x31: {  	[smem:$0x3FA8] =	sst s10  }
0x32: {  	s10 =	sld [smem:$0x3FA6];
	_ =	sdelay $0x3  }
0x33: {  	p0 =	seq.s32 s10, $0x1;
	s10 =	sld [smem:$0x3FA8];
	_ =	sdelay $0x3  }
0x34: {  	[smem:$0x3FA8] =	sst s10  }
0x35: {  	s10 =	sld [smem:$0x3FA7];
	_ =	sdelay $0x3  }
0x36: {  	p1 =	seq.s32 s10, $0x1;
	s10 =	sld [smem:$0x3FA8];
	_ =	sdelay $0x3  }
0x37: {  	[smem:$0x3FA8] =	sst s10  }
0x38: {  	s10 =	sld [smem:$0x3FA9]  }
0x39: {  	_ = 	snop;
	(pc) =	sbr.ind lr, $3  }
0x3a: {  	_ = 	snop  }
0x3b: {  	_ = 	snop  }
0x3c: {  	p2 =	seq.s32 s10, $0x1;
	s10 =	sld [smem:$0x3FA8]  }
0x3d: {  	_ =	shalt  }
0x3e: {  	_ =	shalt  }
0x3f: {  	_ =	shalt  }
0x40: {  	_ =	shalt  }
0x41: {  	_ =	shalt  }
0x42: {  	_ =	shalt  }
0x43: {  	_ =	shalt  }
0x44: {  	_ =	shalt  }
0x45: {  	_ =	shalt  }
0x46: {  	_ =	shalt  }
0x47: {  	_ =	shalt  }
0x48: {  	_ =	shalt  }
0x49: {  	_ =	shalt  }
0x4a: {  	_ =	shalt  }
0x4b: {  	_ =	shalt  }
0x4c: {  	_ =	shalt  }
0x4d: {  	_ =	shalt  }
0x4e: {  	_ =	shalt  }
0x4f: {  	_ =	shalt  }
0x50: {  	_ =	shalt  }
0x51: {  	_ =	shalt  }
0x52: {  	_ =	shalt  }
0x53: {  	_ =	shalt  }
0x54: {  	_ =	shalt  }
0x55: {  	_ =	shalt  }
0x56: {  	_ =	shalt  }
0x57: {  	_ =	shalt  }
0x58: {  	_ =	shalt  }
0x59: {  	_ =	shalt  }
0x5a: {  	_ =	shalt  }
0x5b: {  	_ =	shalt  }
0x5c: {  	_ =	shalt  }
0x5d: {  	_ =	shalt  }
0x5e: {  	_ =	shalt  }
0x5f: {  	_ =	shalt  }
0x60: {  	_ =	shalt  }
0x61: {  	_ =	shalt  }
0x62: {  	_ =	shalt  }
0x63: {  	_ =	shalt  }
0x64: {  	_ =	shalt  }
0x65: {  	_ =	shalt  }
0x66: {  	_ =	shalt  }
0x67: {  	_ =	shalt  }
0x68: {  	_ =	shalt  }
0x69: {  	_ =	shalt  }
0x6a: {  	_ =	shalt  }
0x6b: {  	_ =	shalt  }
0x6c: {  	_ =	shalt  }
0x6d: {  	_ =	shalt  }
0x6e: {  	_ =	shalt  }
0x6f: {  	_ =	shalt  }
0x70: {  	_ =	shalt  }
0x71: {  	_ =	shalt  }
0x72: {  	_ =	shalt  }
0x73: {  	_ =	shalt  }
0x74: {  	_ =	shalt  }
0x75: {  	_ =	shalt  }
0x76: {  	_ =	shalt  }
0x77: {  	_ =	shalt  }
0x78: {  	_ =	shalt  }
0x79: {  	_ =	shalt  }
0x7a: {  	_ =	shalt  }
0x7b: {  	_ =	shalt  }
0x7c: {  	_ =	shalt  }
0x7d: {  	_ =	shalt  }
0x7e: {  	_ =	shalt  }
0x7f: {  	_ =	shalt  }
0x80: {  	_ =	shalt  }
0x81: {  	_ =	shalt  }
0x82: {  	_ =	shalt  }
0x83: {  	_ =	shalt  }
0x84: {  	_ =	shalt  }
0x85: {  	_ =	shalt  }
0x86: {  	_ =	shalt  }
0x87: {  	_ =	shalt  }
.Lfunc_end0:
.L_simem_size_0:
called_computation_lowered:
.L_overlay_start_0:
0x88: {  	s2 =	sld [smem:$0x3FD9]  }
0x89: {  	s3 =	sld [smem:$0x3FFE];
	_ =	sdelay $0x1  }
0x8a: {  	s1 =	srdreg.scid  }
0x8b: {  	s0 =	sand.u32 $0x1, s1  }
0x8c: {  	s17 =	sshll.u32 s0, $0xA;
	s2 =	sadd.s32 s3, s2  }
0x8d: {  	s2 =	sadd.s32 s2, s17  }
0x8e: {  	[smem:$0x3FB4] =	sst s2  }
0x8f: {  	_ = 	snop  }
0x90: {  	s2 =	sld [smem:$0x3FC9];
	(tm) =	ssettm $0x1  }
0x91: {  	s18 =	sld [smem:$0x3FFB];
	_ =	sdelay $0x3  }
0x92: {  	_ =	strace s18  }
0x93: {  	s3 =	sld [smem:$0x3FFC];
	_ =	sdelay $0x3  }
0x94: {  	_ =	strace s3  }
0x95: {  	s3 =	sld [smem:$0x3FFD];
	_ =	sdelay $0x3  }
0x96: {  	_ =	strace s3  }
0x97: {  	_ =	strace $0x8FFFFFFF  }
0x98: {  	s19 =	sld [smem:$0x3FDB];
	_ =	sdelay $0x1  }
0x99: {  	s4 =	simm.s32 $_scs_section_size  }
0x9a: {  	s5 =	simm.s32 $_size__tile_overlayer_lowered;
	s6 =	simm.s32 $_tile_overlayer_lowered  }
0x9b: {  	s22 =	simm.s32 $0x1BFF;
	s21 =	sshll.u32 s6, $0x1;
	s3 =	sadd.s32 s4, s19  }
0x9c: {  	s7 =	simm.s32 $0x0;
	s20 =	sshll.u32 s5, $0x1;
	s5 =	sadd.s32 s21, s3  }
0x9d: {  	[timem:s7], [sflag:s22] =	dma.local [hbm:s5], s20  }
0x9e: {  	_ =	swait.ge [sflag:s22], s20  }
0x9f: {  	s4 =	ssub.s32 $0x0, s20;
	[sflag:s22] =	ssyncset.done $0x0  }
0xa0: {  	[sflag:s22] =	ssyncadd.s32 s4;
	_ =	sdelay $0x1  }
0xa1: {  	s23 =	simm.s32 $0x1B8B  }
0xa2: {  	_ =	swait.ge [sflag:s23], $0x1  }
0xa3: {  	[sflag:s23] =	ssyncset.done $0x0  }
0xa4: {  	s25 =	simm.s32 $0x1B8E;
	s24 =	sld [smem:$0x3FFE];
	[sflag:s23] =	ssyncadd.s32 $0xFFFFFFFF  }
0xa5: {  	s26 =	simm.s32 $execute0_lowered;
	[smem:$0x3FD2] =	sst s25  }
0xa6: {  	s5 =	sshll.u32 s26, $0x1;
	_ =	strace $0x80000046;
	[dreg:$0x1] =	wrdreg $0xFFFFFFFF  }
0xa7: {  	s28 =	simm.s32 $_size_execute0_lowered;
	s3 =	sadd.s32 s3, s5;
	[dreg:$0x0] =	wrdreg $0x0  }
0xa8: {  	s5 =	sshll.u32 s28, $0x1;
	[dreg:$0x2] =	wrdreg s3  }
0xa9: {  	[dreg:$0x3] =	wrdreg s5  }
0xaa: {  	[dreg:$0x4] =	wrdreg $0xC0  }
0xab: {  	_ =	task [dreg:s7], $0x5FFFF  }
0xac: {  	[dreg:$0x1] =	wrdreg $0xFFFFFFFF  }
0xad: {  	[dreg:$0x0] =	wrdreg $0x60  }
0xae: {  	[dreg:$0x2] =	wrdreg s2  }
0xaf: {  	[dreg:$0x3] =	wrdreg s24  }
0xb0: {  	[dreg:$0x4] =	wrdreg $0x0  }
0xb1: {  	[dreg:$0x5] =	wrdreg $0x9  }
0xb2: {  	_ =	task.clear_ibuf [dreg:s7], $0x6FFFF;
	_ =	strace $0x90000046  }
0xb3: {  	s29 =	simm.s32 $0x9;
	_ =	strace $0x80000048  }
0xb4: {  	_ =	swait.ge [sflag:s29], $0x1  }
0xb5: {  	[sflag:s29] =	ssyncadd.s32 $0xFFFFFFFF  }
0xb6: {  	_ =	strace $0x90000048  }
0xb7: {  	_ =	sfence  }
0xb8: {  	s30 =	sld [smem:$0x0];
	_ =	sdelay $0x2  }
0xb9: {  	s31 =	sshll.u32 s1, $0xD;
	s1 =	sshrl.u32 s1, $0x2  }
0xba: {  	s3 =	sand.u32 $0x4000, s31;
	s1 =	sadd.s32 s1, s30  }
0xbb: {  	s0 =	sor.u32 s3, s0;
	s1 =	sshll.u32 s1, $0x11  }
0xbc: {  	s0 =	sor.u32 s1, s0  }
0xbd: {  	s0 =	sadd.s32 $0x8F2B, s0  }
0xbe: {  	[sflag:s0] =	ssyncadd.remote.s32 $0x1  }
0xbf: {  	_ =	sfence.sel $0xFFFF  }
0xc0: {  	[dreg:$0x0] =	wrdreg $0xFFFFFFFF;
	(pc) =	sbr.abs _section_cstart, $3  }
0xc1: {  	[dreg:$0x1] =	wrdreg $0xFFFFFFFF  }
0xc2: {  	_ =	task.clear_ibuf [dreg:s7], $0x2FFFF;
	_ =	strace $0x9FFFFFFF  }
0xc3: {  	(tm) =	ssettm $0x7FFFFFFF  }
tec
execute0_lowered:
.L_overlay_start_1:
0x0: {  	(tag) =	ssettag $0x1  }
0x1: {  	s0 =	rddreg [dreg:$0x0]  }
0x2: {  	s8 =	rddreg [dreg:$0x1];
	s1 =	srdreg.scid  }
0x3: {  	s3 =	rddreg [dreg:$0x2];
	s2 =	stileid.u32  }
0x4: {  	s4 =	simm.s32 $0x0;
	s16 =	simm.s32 $0x19100;
	s17 =	simm.s32 $0x2  }
0x5: {  	s18 =	simm.s32 $0x14000;
	s19 =	simm.s32 $0x14080;
	s20 =	simm.s32 $0x50  }
0x6: {  	s21 =	simm.s32 $0x14100;
	s22 =	simm.s32 $0x16900;
	s23 =	simm.s32 $0x1  }
0x7: {  	s9 =	sand.u32 $0x1, s1;
	s1 =	rddreg [dreg:$0x3];
	s7 =	smul.u32 $0x14000, s2  }
0x8: {  	[smem:$0x7FF] =	sst s4;
	s5 =	sadd.s32 $0x4F9000, s8;
	s11 =	smul.u32 $0x50000, s2  }
0x9: {  	s6 =	smul.u32 $0x140000, s9;
	_ =	strace $0x80000047;
	s30 =	ssub.s32 $0x2, s9  }
0xa: {  	s9 =	sshll.u32 s9, $0x4;
	s31 =	sshrl.u32 s30, $0x1;
	s11 =	sshrl.u32 s11, $0x2  }
0xb: {  	s13 =	sor.u32 s2, s9;
	s7 =	sadd.s32 s7, s6;
	s6 =	sadd.s32 $0xD200, s8  }
0xc: {  	s15 =	ssub.s32 s30, s31;
	s13 =	smul.u32 $0x2710, s13;
	s10 =	sshrl.u32 s7, $0x3  }
0xd: {  	s7 =	sadd.s32 $0x3400, s8;
	s14 =	sadd.s32 s10, s8;
	s8 =	sadd.s32 s11, s3  }
0xe: {  	s15 =	smax.u32 s15, $0x1;
	s9 =	sadd.s32 $0x4000, s8;
	s10 =	sadd.s32 $0x8000, s8  }
0xf: {  	v0 =	vimm.f32 $0.0e+00;
	s11 =	sadd.s32 $0xC000, s8;
	s12 =	sadd.s32 $0x10000, s8;
	s14 =	sadd.s32 $0x9DB000, s14  }
.LBB2_1:
0x10: {  	s24 =	simm.s32 $0x0;
	s25 =	simm.s32 $0x200  }
.LBB2_2:
0x11: {  	p0 =	sne.s32 s25, $0xFE00;
	[tilespmem:s24+$0x19170] =	vst v0  }
0x12: {  	[tilespmem:s24+$0x19100] =	vst v0  }
0x13: {  	[tilespmem:s24+$0x19110] =	vst v0  }
.Ltmp0:
0x14: {  	[tilespmem:s24+$0x19120] =	vst v0;
	(pc) =	sbr.rel @p0 .LBB2_2-.Ltmp0, $4  }
0x15: {  	[tilespmem:s24+$0x19130] =	vst v0  }
0x16: {  	[tilespmem:s24+$0x19140] =	vst v0  }
0x17: {  	[tilespmem:s24+$0x19150] =	vst v0  }
0x18: {  	[tilespmem:s24+$0x19160] =	vst v0;
	s24 =	sshra.s32 s25, $0x2;
	s25 =	sadd.s32 $0x200, s25  }
0x19: {  	[tilespmem:s24+$0x19170] =	vst v0  }
0x1a: {  	[tilespmem:s24+$0x19100] =	vst v0  }
0x1b: {  	[tilespmem:s24+$0x19110] =	vst v0  }
0x1c: {  	[tilespmem:s24+$0x19120] =	vst v0  }
0x1d: {  	[tilespmem:s24+$0x19130] =	vst v0  }
0x1e: {  	[tilespmem:s24+$0x19140] =	vst v0  }
0x1f: {  	[tilespmem:s24+$0x19150] =	vst v0  }
0x20: {  	[tilespmem:s24+$0x19160] =	vst v0  }
0x21: {  	[spmem:s8] =	stream.linear.scatter [tilespmem:s16], [sflag:$0x2], $0x4000, $0x38;
	[tilespmem:$0x1D100] =	vst v63  }
0x22: {  	_ =	swait.ge [sflag:s17], $0x4000  }
0x23: {  	[sflag:s17] =	ssyncset.done $0x0  }
0x24: {  	[sflag:s17] =	ssyncadd.s32 $0xFFFFC000  }
0x25: {  	[spmem:s9] =	stream.linear.scatter [tilespmem:s16], [sflag:$0x2], $0x4000, $0x38;
	[tilespmem:$0x1D100] =	vst v63  }
0x26: {  	_ =	swait.ge [sflag:s17], $0x4000  }
0x27: {  	[sflag:s17] =	ssyncset.done $0x0  }
0x28: {  	[sflag:s17] =	ssyncadd.s32 $0xFFFFC000  }
0x29: {  	[spmem:s10] =	stream.linear.scatter [tilespmem:s16], [sflag:$0x2], $0x4000, $0x38;
	[tilespmem:$0x1D100] =	vst v63  }
0x2a: {  	_ =	swait.ge [sflag:s17], $0x4000  }
0x2b: {  	[sflag:s17] =	ssyncset.done $0x0  }
0x2c: {  	[sflag:s17] =	ssyncadd.s32 $0xFFFFC000  }
0x2d: {  	[spmem:s11] =	stream.linear.scatter [tilespmem:s16], [sflag:$0x2], $0x4000, $0x38;
	[tilespmem:$0x1D100] =	vst v63  }
0x2e: {  	_ =	swait.ge [sflag:s17], $0x4000  }
0x2f: {  	[sflag:s17] =	ssyncset.done $0x0  }
0x30: {  	[sflag:s17] =	ssyncadd.s32 $0xFFFFC000  }
0x31: {  	[spmem:s12] =	stream.linear.scatter [tilespmem:s16], [sflag:$0x2], $0x4000, $0x38;
	[tilespmem:$0x1D100] =	vst v63  }
0x32: {  	_ =	swait.ge [sflag:s17], $0x4000  }
0x33: {  	[sflag:s17] =	ssyncset.done $0x0  }
0x34: {  	[sflag:s17] =	ssyncadd.s32 $0xFFFFC000  }
0x35: {  	s24 =	simm.s32 $0x0;
	s25 =	simm.s32 $0x0;
	[bflag:$0x0] =	sbarrier.arrive $0xFFFF  }
.LBB2_4:
0x36: {  	s26 =	smul.u32 $0x50, s25;
	_ =	sdelay $0x1  }
0x37: {  	s26 =	sadd.s32 s13, s26  }
0x38: {  	s28 =	sshrl.u32 s26, $0x3  }
0x39: {  	s29 =	sadd.s32 s6, s28  }
0x3a: {  	[tilespmem:s18], [sflag:$0x2] =	stream.linear.gather [hbm4b:s29+s24], $0x50, $0x38;
	[tilespmem:$0x1D100] =	vst v63  }
0x3b: {  	_ =	swait.ge [sflag:s17], $0x50  }
0x3c: {  	[sflag:s17] =	ssyncset.done $0x0  }
0x3d: {  	s28 =	sadd.s32 s7, s28;
	[sflag:s17] =	ssyncadd.s32 $0xFFFFFFB0  }
0x3e: {  	[tilespmem:s19], [sflag:$0x2] =	stream.linear.gather [hbm4b:s28+s24], $0x50, $0x38;
	[tilespmem:$0x1D100] =	vst v63  }
0x3f: {  	_ =	swait.ge [sflag:s17], $0x50  }
0x40: {  	[sflag:s17] =	ssyncset.done $0x0  }
0x41: {  	s26 =	sshll.u32 s26, $0x4;
	[sflag:s17] =	ssyncadd.s32 $0xFFFFFFB0  }
0x42: {  	[tilespmem:s21], [sflag:$0x1] =	stream.indirect.gather [hbm4b:s0+s20], $0x80, s18, s20, $0xb8;
	[tilespmem:$0x1D100] =	vst v63  }
0x43: {  	s26 =	sadd.s32 s5, s26  }
0x44: {  	[tilespmem:s22], [sflag:$0x2] =	stream.linear.gather [hbm4b:s26+s24], $0x2800, $0x38;
	[tilespmem:$0x1D100] =	vst v63  }
0x45: {  	_ =	swait.ge [sflag:s17], $0x2800  }
0x46: {  	[sflag:s17] =	ssyncset.done $0x0  }
0x47: {  	[sflag:s17] =	ssyncadd.s32 $0xFFFFD800  }
0x48: {  	_ =	swait.ge [sflag:s23], $0x2800  }
0x49: {  	[sflag:s23] =	ssyncset.done $0x0  }
0x4a: {  	s26 =	simm.s32 $0x0;
	[sflag:s23] =	ssyncadd.s32 $0xFFFFD800  }
0x4b: {  	v7 =	vld [tilespmem:s26+$0x14100]  }
0x4c: {  	v12 =	vld [tilespmem:s26+$0x14110]  }
0x4d: {  	v6 =	vld [tilespmem:s26+$0x14120]  }
0x4e: {  	v5 =	vld [tilespmem:s26+$0x14130]  }
0x4f: {  	v4 =	vld [tilespmem:s26+$0x14140]  }
0x50: {  	v3 =	vld [tilespmem:s26+$0x14150]  }
0x51: {  	v2 =	vld [tilespmem:s26+$0x14160]  }
0x52: {  	v1 =	vld [tilespmem:s26+$0x14170]  }
0x53: {  	v13 =	vld [tilespmem:s26+$0x16900]  }
0x54: {  	v14 =	vld [tilespmem:s26+$0x16910]  }
0x55: {  	v11 =	vld [tilespmem:s26+$0x16920]  }
0x56: {  	v10 =	vld [tilespmem:s26+$0x16930]  }
0x57: {  	v9 =	vld [tilespmem:s26+$0x16940]  }
0x58: {  	v8 =	vld [tilespmem:s26+$0x16950];
	v13 =	vadd.f32 v13, v7  }
0x59: {  	s28 =	simm.s32 $0x200;
	v12 =	vadd.f32 v14, v12;
	v7 =	vld [tilespmem:s26+$0x16960]  }
.LBB2_5:
0x5a: {  	s29 =	sshra.s32 s28, $0x2;
	p0 =	sne.s32 s28, $0x9E00;
	v13 =	vmax.f32 v13, $0.0e+00;
	v6 =	vadd.f32 v11, v6;
	v11 =	vld [tilespmem:s26+$0x16970]  }
0x5b: {  	v14 =	vld [tilespmem:s29+$0x14100];
	[tilespmem:s26+$0x16900] =	vst v13;
	v12 =	vmax.f32 v12, $0.0e+00;
	v5 =	vadd.f32 v10, v5  }
0x5c: {  	v15 =	vld [tilespmem:s29+$0x14110];
	[tilespmem:s26+$0x16910] =	vst v12;
	v10 =	vmax.f32 v6, $0.0e+00;
	v4 =	vadd.f32 v9, v4  }
0x5d: {  	v6 =	vld [tilespmem:s29+$0x14120];
	[tilespmem:s26+$0x16920] =	vst v10;
	v9 =	vmax.f32 v5, $0.0e+00;
	v3 =	vadd.f32 v8, v3  }
0x5e: {  	v5 =	vld [tilespmem:s29+$0x14130];
	[tilespmem:s26+$0x16930] =	vst v9;
	v8 =	vmax.f32 v4, $0.0e+00;
	v2 =	vadd.f32 v7, v2  }
0x5f: {  	v4 =	vld [tilespmem:s29+$0x14140];
	[tilespmem:s26+$0x16940] =	vst v8;
	v7 =	vmax.f32 v3, $0.0e+00;
	v1 =	vadd.f32 v11, v1  }
0x60: {  	v3 =	vld [tilespmem:s29+$0x14150];
	[tilespmem:s26+$0x16950] =	vst v7;
	v7 =	vmax.f32 v2, $0.0e+00  }
0x61: {  	v2 =	vld [tilespmem:s29+$0x14160];
	[tilespmem:s26+$0x16960] =	vst v7;
	v7 =	vmax.f32 v1, $0.0e+00  }
0x62: {  	v1 =	vld [tilespmem:s29+$0x14170];
	[tilespmem:s26+$0x16970] =	vst v7;
	s26 =	smov.u32 s29  }
0x63: {  	v7 =	vld [tilespmem:s26+$0x16900]  }
0x64: {  	v12 =	vld [tilespmem:s26+$0x16910]  }
.Ltmp1:
0x65: {  	v11 =	vld [tilespmem:s26+$0x16920];
	(pc) =	sbr.rel @p0 .LBB2_5-.Ltmp1, $4  }
0x66: {  	v10 =	vld [tilespmem:s26+$0x16930]  }
0x67: {  	v9 =	vld [tilespmem:s26+$0x16940]  }
0x68: {  	v13 =	vadd.f32 v7, v14;
	v8 =	vld [tilespmem:s26+$0x16950]  }
0x69: {  	s28 =	sadd.s32 $0x200, s28;
	v12 =	vadd.f32 v12, v15;
	v7 =	vld [tilespmem:s26+$0x16960]  }
0x6a: {  	v13 =	vmax.f32 v13, $0.0e+00;
	v6 =	vadd.f32 v11, v6;
	v63 =	vld [tilespmem:s26+$0x16970]  }
0x6b: {  	[tilespmem:s26+$0x16900] =	vst v13;
	v12 =	vmax.f32 v12, $0.0e+00;
	v5 =	vadd.f32 v10, v5  }
0x6c: {  	[tilespmem:s26+$0x16910] =	vst v12;
	v6 =	vmax.f32 v6, $0.0e+00;
	v4 =	vadd.f32 v9, v4  }
0x6d: {  	[tilespmem:s26+$0x16920] =	vst v6;
	v5 =	vmax.f32 v5, $0.0e+00;
	v3 =	vadd.f32 v8, v3  }
0x6e: {  	[tilespmem:s26+$0x16930] =	vst v5;
	v4 =	vmax.f32 v4, $0.0e+00;
	v2 =	vadd.f32 v7, v2  }
0x6f: {  	[tilespmem:s26+$0x16940] =	vst v4;
	v3 =	vmax.f32 v3, $0.0e+00;
	v1 =	vadd.f32 v63, v1  }
0x70: {  	s25 =	sadd.s32 $0x1, s25;
	[tilespmem:s26+$0x16950] =	vst v3;
	v2 =	vmax.f32 v2, $0.0e+00  }
0x71: {  	p0 =	sne.s32 s25, $0x7D;
	[tilespmem:s26+$0x16960] =	vst v2;
	v1 =	vmax.f32 v1, $0.0e+00  }
.Ltmp2:
0x72: {  	[tilespmem:s26+$0x16970] =	vst v1;
	(pc) =	sbr.rel @p0 .LBB2_4-.Ltmp2, $4  }
0x73: {  	[spmem:s3] =	stream.indirect.scatter.add.f32 [tilespmem:s22], [sflag:$0x2], $0x80, s19, s20, $0xb8;
	[tilespmem:$0x1D100] =	vst v63  }
0x74: {  	_ =	swait.ge [sflag:s17], $0x2800  }
0x75: {  	[sflag:s17] =	ssyncset.done $0x0  }
0x76: {  	[sflag:s17] =	ssyncadd.s32 $0xFFFFD800  }
0x77: {  	s4 =	sadd.s32 $0x1, s4  }
0x78: {  	s24 =	sshll.u32 s2, $0x6;
	[bflag:$0x0] =	sbarrier.arrive $0xFFFF;
	p0 =	sne.s32 s4, s15  }
.Ltmp3:
0x79: {  	s25 =	sshrl.u32 s8, $0x3;
	s24 =	sor.u32 $0x1C02, s24;
	(pc) =	sbr.rel @p0 .LBB2_1-.Ltmp3, $4  }
0x7a: {  	[hbm:s14], [sflag:s24] =	dma.local [spmem:s25], $0x2800  }
0x7b: {  	_ =	swait.ge [sflag:s17], $0x2800  }
0x7c: {  	[sflag:s17] =	ssyncset.done $0x0  }
0x7d: {  	[sflag:s17] =	ssyncadd.s32 $0xFFFFD800  }
0x7e: {  	_ =	sfence.sel $0x180000  }
0x7f: {  	[bflag:$0x0] =	sbarrier.arrive $0xFFFF  }
0x80: {  	p0 =	sne.s32 s2, $0x0;
	_ =	strace $0x90000047  }
0x81: {  	s0 =	sadd.s32 @!p0 $0x100000, s1;
	[bflag:$0x2] =	sbarrier.arrive $0xFFFF  }
0x82: {  	[sflag:s0] =	ssyncadd.tile.s32 @!p0 $0x1;
	_ =	shalt  }
.Lfunc_end2:
_tile_overlayer_lowered:
.L_overlay_start_2:
0x83: {  	(tag) =	ssettag $0x2  }
0x84: {  	s0 =	rddreg [dreg:$0x0];
	s2 =	stileid.u32  }
0x85: {  	s1 =	rddreg [dreg:$0x1];
	p0 =	sne.s32 s2, $0x0  }
0x86: {  	s3 =	rddreg [dreg:$0x2];
	[bflag:$0x3] =	sbarrier.arrive $0xFFFF;
	s2 =	simm.s32 @!p0 $0x1C02  }
0x87: {  	[timem:s3], [sflag:s2] =	dma.local @!p0 [hbm:s0], s1  }
0x88: {  	s0 =	simm.s32 @!p0 $0x2  }
0x89: {  	_ =	swait.ge @!p0 [sflag:s0], s1  }
0x8a: {  	s1 =	ssub.s32 @!p0 $0x0, s1;
	[sflag:s0] =	ssyncset.done @!p0 $0x0  }
0x8b: {  	[sflag:s0] =	ssyncadd.s32 @!p0 s1  }
0x8c: {  	[bflag:$0x3] =	sbarrier.arrive $0xFFFF  }
0x8d: {  	_ =	shalt  }

// kernel: kernel.15.cloned.1.call-start
scs
__scs_entry_jumppad:
0x0: {  	(pc) =	sbr.rel $0x88, $3  }
0x1: {  	(tag) =	ssettag $0x0;
	lr =	simm.s32 $0x1  }
0x2: {  	[smem:$0x3F8D] =	sst lr;
	_ =	strace $0xD0000000  }
0x3: {  	_ = 	snop  }
0x4: {  	_ = 	snop  }
0x5: {  	_ = 	snop  }
0x6: {  	_ = 	snop  }
0x7: {  	_ = 	snop  }
__scs_overlays_trampoline_lowered:
0x8: {  	[smem:$0x3F9C] =	sst s0  }
0x9: {  	[smem:$0x3F9D] =	sst s1  }
0xa: {  	[smem:$0x3F9E] =	sst s2  }
0xb: {  	[smem:$0x3F9F] =	sst s3  }
0xc: {  	[smem:$0x3FA0] =	sst s4  }
0xd: {  	[smem:$0x3FA1] =	sst s5  }
0xe: {  	[smem:$0x3FA2] =	sst s6  }
0xf: {  	[smem:$0x3FA3] =	sst s7  }
0x10: {  	[smem:$0x3FA4] =	sst s8  }
0x11: {  	[smem:$0x3FA5] =	sst s9;
	s0 =	simm.s32 @!p0 $0x0  }
0x12: {  	s1 =	sld [smem:$0x3F8B];
	s0 =	simm.s32 @p0 $0x1  }
0x13: {  	[smem:$0x3FA6] =	sst s0;
	s0 =	simm.s32 @!p1 $0x0  }
0x14: {  	s2 =	sld [smem:$0x3F8A];
	s0 =	simm.s32 @p1 $0x1  }
0x15: {  	[smem:$0x3FA7] =	sst s0;
	s0 =	simm.s32 @!p2 $0x0  }
0x16: {  	s3 =	sld [smem:$0x3FDB];
	s0 =	simm.s32 @p2 $0x1  }
0x17: {  	s4 =	simm.s32 $0x1BF5;
	[smem:$0x3FA9] =	sst s0  }
0x18: {  	s0 =	sld [smem:$0x3F8C];
	_ =	swait.ge [sflag:s4], $0x0  }
0x19: {  	s7 =	sld [smem:$0x3F8D]  }
0x1a: {  	s8 =	sadd.s32 $0xFFFFE003, lr  }
0x1b: {  	s9 =	sadd.s32 $0xFFFFFEF7, lr;
	s5 =	simm.s32 $0xFFFFFFFF;
	p2 =	slt.u32 s8, $0xFFFFF086  }
0x1c: {  	p1 =	slt.u32 s9, $0xF7A;
	s5 =	simm.s32 @!p2 $0x0  }
0x1d: {  	s5 =	simm.s32 @p1 $0x1;
	p0 =	seq.s32 s7, s2  }
0x1e: {  	s7 =	smul.u32 @!p0 $0xF7A, s2;
	p2 =	seq.s32 @!p0 s5, $0x0  }
0x1f: {  	s9 =	smul.u32 $0xF7A, s1;
	s8 =	simm.s32 @!p0 $0x1BF5;
	p2 =	por !p2, p0  }
0x20: {  	[sflag:s8] =	ssyncset.s32 @!p0 $0xFFFFF086;
	s6 =	sadd.s32 @!p0 s3, s7;
	s7 =	simm.s32 @!p0 $0x108  }
0x21: {  	s3 =	sadd.s32 s3, s9;
	s6 =	sadd.s32 @!p0 $0x88, s6;
	s7 =	simm.s32 @p2 $0x1082  }
0x22: {  	[simem:s7], [sflag:s8] =	dma.local @!p0 [hbm:s6], $0xF7A  }
0x23: {  	s9 =	sor.u32 $0xD0000000, s2;
	s6 =	simm.s32 $0x108;
	_ =	swait.ge @!p0 [sflag:s8], $0x0  }
0x24: {  	s3 =	sadd.s32 $0x88, s3;
	s6 =	simm.s32 @!p1 $0x1082;
	[sflag:s4] =	ssyncset.s32 $0xFFFFF086  }
0x25: {  	[simem:s6], [sflag:s4] =	dma.local [hbm:s3], $0xF7A  }
0x26: {  	[smem:$0x3F8D] =	sst s1;
	(tag) =	ssettag s2;
	_ =	strace s9  }
0x27: {  	s1 =	sld [smem:$0x3F9D]  }
0x28: {  	s2 =	sld [smem:$0x3F9E]  }
0x29: {  	s4 =	sld [smem:$0x3FA0]  }
0x2a: {  	p0 =	seq.s32 s5, $0x0;
	s5 =	sld [smem:$0x3FA1]  }
0x2b: {  	s6 =	sld [smem:$0x3FA2]  }
0x2c: {  	s7 =	sld [smem:$0x3FA3]  }
0x2d: {  	s3 =	simm.s32 $0x108;
	s8 =	sld [smem:$0x3FA4]  }
0x2e: {  	s3 =	simm.s32 @!p0 $0x1082;
	s9 =	sld [smem:$0x3FA5]  }
0x2f: {  	lr =	sadd.s32 s0, s3;
	s0 =	sld [smem:$0x3F9C]  }
0x30: {  	s3 =	sld [smem:$0x3F9F]  }
0x31: {  	[smem:$0x3FA8] =	sst s10  }
0x32: {  	s10 =	sld [smem:$0x3FA6];
	_ =	sdelay $0x3  }
0x33: {  	p0 =	seq.s32 s10, $0x1;
	s10 =	sld [smem:$0x3FA8];
	_ =	sdelay $0x3  }
0x34: {  	[smem:$0x3FA8] =	sst s10  }
0x35: {  	s10 =	sld [smem:$0x3FA7];
	_ =	sdelay $0x3  }
0x36: {  	p1 =	seq.s32 s10, $0x1;
	s10 =	sld [smem:$0x3FA8];
	_ =	sdelay $0x3  }
0x37: {  	[smem:$0x3FA8] =	sst s10  }
0x38: {  	s10 =	sld [smem:$0x3FA9]  }
0x39: {  	_ = 	snop;
	(pc) =	sbr.ind lr, $3  }
0x3a: {  	_ = 	snop  }
0x3b: {  	_ = 	snop  }
0x3c: {  	p2 =	seq.s32 s10, $0x1;
	s10 =	sld [smem:$0x3FA8]  }
0x3d: {  	_ =	shalt  }
0x3e: {  	_ =	shalt  }
0x3f: {  	_ =	shalt  }
0x40: {  	_ =	shalt  }
0x41: {  	_ =	shalt  }
0x42: {  	_ =	shalt  }
0x43: {  	_ =	shalt  }
0x44: {  	_ =	shalt  }
0x45: {  	_ =	shalt  }
0x46: {  	_ =	shalt  }
0x47: {  	_ =	shalt  }
0x48: {  	_ =	shalt  }
0x49: {  	_ =	shalt  }
0x4a: {  	_ =	shalt  }
0x4b: {  	_ =	shalt  }
0x4c: {  	_ =	shalt  }
0x4d: {  	_ =	shalt  }
0x4e: {  	_ =	shalt  }
0x4f: {  	_ =	shalt  }
0x50: {  	_ =	shalt  }
0x51: {  	_ =	shalt  }
0x52: {  	_ =	shalt  }
0x53: {  	_ =	shalt  }
0x54: {  	_ =	shalt  }
0x55: {  	_ =	shalt  }
0x56: {  	_ =	shalt  }
0x57: {  	_ =	shalt  }
0x58: {  	_ =	shalt  }
0x59: {  	_ =	shalt  }
0x5a: {  	_ =	shalt  }
0x5b: {  	_ =	shalt  }
0x5c: {  	_ =	shalt  }
0x5d: {  	_ =	shalt  }
0x5e: {  	_ =	shalt  }
0x5f: {  	_ =	shalt  }
0x60: {  	_ =	shalt  }
0x61: {  	_ =	shalt  }
0x62: {  	_ =	shalt  }
0x63: {  	_ =	shalt  }
0x64: {  	_ =	shalt  }
0x65: {  	_ =	shalt  }
0x66: {  	_ =	shalt  }
0x67: {  	_ =	shalt  }
0x68: {  	_ =	shalt  }
0x69: {  	_ =	shalt  }
0x6a: {  	_ =	shalt  }
0x6b: {  	_ =	shalt  }
0x6c: {  	_ =	shalt  }
0x6d: {  	_ =	shalt  }
0x6e: {  	_ =	shalt  }
0x6f: {  	_ =	shalt  }
0x70: {  	_ =	shalt  }
0x71: {  	_ =	shalt  }
0x72: {  	_ =	shalt  }
0x73: {  	_ =	shalt  }
0x74: {  	_ =	shalt  }
0x75: {  	_ =	shalt  }
0x76: {  	_ =	shalt  }
0x77: {  	_ =	shalt  }
0x78: {  	_ =	shalt  }
0x79: {  	_ =	shalt  }
0x7a: {  	_ =	shalt  }
0x7b: {  	_ =	shalt  }
0x7c: {  	_ =	shalt  }
0x7d: {  	_ =	shalt  }
0x7e: {  	_ =	shalt  }
0x7f: {  	_ =	shalt  }
0x80: {  	_ =	shalt  }
0x81: {  	_ =	shalt  }
0x82: {  	_ =	shalt  }
0x83: {  	_ =	shalt  }
0x84: {  	_ =	shalt  }
0x85: {  	_ =	shalt  }
0x86: {  	_ =	shalt  }
0x87: {  	_ =	shalt  }
.Lfunc_end0:
.L_simem_size_0:
called_computation.1_lowered:
.L_overlay_start_0:
0x88: {  	s2 =	sld [smem:$0x3FD9]  }
0x89: {  	s3 =	sld [smem:$0x3FFE];
	_ =	sdelay $0x1  }
0x8a: {  	s1 =	srdreg.scid  }
0x8b: {  	s0 =	sand.u32 $0x1, s1  }
0x8c: {  	s16 =	sshll.u32 s0, $0xA;
	s2 =	sadd.s32 s3, s2  }
0x8d: {  	s2 =	sadd.s32 s2, s16  }
0x8e: {  	[smem:$0x3FB4] =	sst s2  }
0x8f: {  	_ = 	snop  }
0x90: {  	(tm) =	ssettm $0x1  }
0x91: {  	s17 =	sld [smem:$0x3FFB];
	_ =	sdelay $0x3  }
0x92: {  	_ =	strace s17  }
0x93: {  	s2 =	sld [smem:$0x3FFC];
	_ =	sdelay $0x3  }
0x94: {  	_ =	strace s2  }
0x95: {  	s2 =	sld [smem:$0x3FFD];
	_ =	sdelay $0x3  }
0x96: {  	_ =	strace s2  }
0x97: {  	_ =	strace $0x8FFFFFFF  }
0x98: {  	s18 =	sld [smem:$0x3FDB];
	_ =	sdelay $0x1  }
0x99: {  	s19 =	simm.s32 $_scs_section_size  }
0x9a: {  	s4 =	simm.s32 $_size__tile_overlayer_lowered;
	s5 =	simm.s32 $_tile_overlayer_lowered  }
0x9b: {  	s22 =	simm.s32 $0x1BFF;
	s21 =	sshll.u32 s5, $0x1;
	s2 =	sadd.s32 s19, s18  }
0x9c: {  	s6 =	simm.s32 $0x0;
	s20 =	sshll.u32 s4, $0x1;
	s4 =	sadd.s32 s21, s2  }
0x9d: {  	[timem:s6], [sflag:s22] =	dma.local [hbm:s4], s20  }
0x9e: {  	_ =	swait.ge [sflag:s22], s20  }
0x9f: {  	s3 =	ssub.s32 $0x0, s20;
	[sflag:s22] =	ssyncset.done $0x0  }
0xa0: {  	[sflag:s22] =	ssyncadd.s32 s3;
	_ =	sdelay $0x1  }
0xa1: {  	s23 =	simm.s32 $0x1B8B  }
0xa2: {  	_ =	swait.ge [sflag:s23], $0x1  }
0xa3: {  	[sflag:s23] =	ssyncset.done $0x0  }
0xa4: {  	s25 =	simm.s32 $0x1B8E;
	s24 =	sld [smem:$0x3FFE];
	[sflag:s23] =	ssyncadd.s32 $0xFFFFFFFF  }
0xa5: {  	s26 =	simm.s32 $execute0_lowered;
	[smem:$0x3FD2] =	sst s25  }
0xa6: {  	s4 =	sshll.u32 s26, $0x1;
	_ =	strace $0x80000049;
	[dreg:$0x1] =	wrdreg $0xFFFFFFFF  }
0xa7: {  	s28 =	simm.s32 $_size_execute0_lowered;
	s2 =	sadd.s32 s2, s4;
	[dreg:$0x0] =	wrdreg $0x0  }
0xa8: {  	s4 =	sshll.u32 s28, $0x1;
	[dreg:$0x2] =	wrdreg s2  }
0xa9: {  	[dreg:$0x3] =	wrdreg s4  }
0xaa: {  	[dreg:$0x4] =	wrdreg $0xC0  }
0xab: {  	_ =	task [dreg:s6], $0x5FFFF  }
0xac: {  	[dreg:$0x1] =	wrdreg $0xFFFFFFFF  }
0xad: {  	[dreg:$0x0] =	wrdreg $0x60  }
0xae: {  	[dreg:$0x2] =	wrdreg s24  }
0xaf: {  	[dreg:$0x3] =	wrdreg $0x0  }
0xb0: {  	[dreg:$0x4] =	wrdreg $0x9  }
0xb1: {  	_ =	task.clear_ibuf [dreg:s6], $0x5FFFF;
	_ =	strace $0x90000049  }
0xb2: {  	s29 =	simm.s32 $0x9;
	_ =	strace $0x8000004B  }
0xb3: {  	_ =	swait.ge [sflag:s29], $0x1  }
0xb4: {  	[sflag:s29] =	ssyncadd.s32 $0xFFFFFFFF  }
0xb5: {  	_ =	strace $0x9000004B  }
0xb6: {  	_ =	sfence  }
0xb7: {  	s30 =	sld [smem:$0x0];
	_ =	sdelay $0x2  }
0xb8: {  	s31 =	sshll.u32 s1, $0xD;
	s1 =	sshrl.u32 s1, $0x2  }
0xb9: {  	s3 =	sand.u32 $0x4000, s31;
	s1 =	sadd.s32 s1, s30  }
0xba: {  	s0 =	sor.u32 s3, s0;
	s1 =	sshll.u32 s1, $0x11  }
0xbb: {  	s0 =	sor.u32 s1, s0  }
0xbc: {  	s0 =	sadd.s32 $0x8F2B, s0  }
0xbd: {  	[sflag:s0] =	ssyncadd.remote.s32 $0x1  }
0xbe: {  	_ =	sfence.sel $0xFFFF  }
0xbf: {  	[dreg:$0x0] =	wrdreg $0xFFFFFFFF;
	(pc) =	sbr.abs _section_cstart, $3  }
0xc0: {  	[dreg:$0x1] =	wrdreg $0xFFFFFFFF  }
0xc1: {  	_ =	task.clear_ibuf [dreg:s6], $0x2FFFF;
	_ =	strace $0x9FFFFFFF  }
0xc2: {  	(tm) =	ssettm $0x7FFFFFFF  }
0xc3: {  	_ =	shalt  }
tec
execute0_lowered:
.L_overlay_start_1:
0x0: {  	(tag) =	ssettag $0x1  }
0x1: {  	s8 =	rddreg [dreg:$0x0]  }
0x2: {  	s1 =	rddreg [dreg:$0x1]  }
0x3: {  	s2 =	srdreg.scid;
	s0 =	rddreg [dreg:$0x2];
	s3 =	simm.s32 $0x0  }
0x4: {  	s16 =	simm.s32 $0x19100;
	s17 =	simm.s32 $0x2;
	s18 =	simm.s32 $0x14000  }
0x5: {  	s19 =	simm.s32 $0x14080;
	s20 =	simm.s32 $0x50;
	s21 =	simm.s32 $0x14100  }
0x6: {  	s22 =	simm.s32 $0x16900;
	s9 =	sand.u32 $0x1, s2;
	s2 =	stileid.u32  }
0x7: {  	s23 =	simm.s32 $0x1;
	[smem:$0x7FF] =	sst s3;
	s6 =	smul.u32 $0x140000, s9  }
0x8: {  	s4 =	sadd.s32 $0x4F9000, s8;
	s5 =	sadd.s32 $0xA2B000, s8;
	s7 =	smul.u32 $0x14000, s2  }
0x9: {  	s11 =	smul.u32 $0x50000, s2;
	s30 =	ssub.s32 $0x2, s9;
	s9 =	sshll.u32 s9, $0x4  }
0xa: {  	_ =	strace $0x8000004A;
	s31 =	sshrl.u32 s30, $0x1;
	s13 =	sor.u32 s2, s9  }
0xb: {  	s7 =	sadd.s32 s7, s6;
	s6 =	sadd.s32 $0xD200, s8;
	s11 =	sshrl.u32 s11, $0x2  }
0xc: {  	s15 =	ssub.s32 s30, s31;
	s13 =	smul.u32 $0x2710, s13;
	s10 =	sshrl.u32 s7, $0x3  }
0xd: {  	s7 =	sadd.s32 $0x3400, s8;
	s14 =	sadd.s32 s10, s8;
	s8 =	sadd.s32 s11, s1  }
0xe: {  	s15 =	smax.u32 s15, $0x1;
	s9 =	sadd.s32 $0x4000, s8;
	s10 =	sadd.s32 $0x8000, s8  }
0xf: {  	v0 =	vimm.f32 $0.0e+00;
	s11 =	sadd.s32 $0xC000, s8;
	s12 =	sadd.s32 $0x10000, s8;
	s14 =	sadd.s32 $0x520200, s14  }
.LBB2_1:
0x10: {  	s24 =	simm.s32 $0x0;
	s25 =	simm.s32 $0x200  }
.LBB2_2:
0x11: {  	p0 =	sne.s32 s25, $0xFE00;
	[tilespmem:s24+$0x19170] =	vst v0  }
0x12: {  	[tilespmem:s24+$0x19100] =	vst v0  }
0x13: {  	[tilespmem:s24+$0x19110] =	vst v0  }
.Ltmp0:
0x14: {  	[tilespmem:s24+$0x19120] =	vst v0;
	(pc) =	sbr.rel @p0 .LBB2_2-.Ltmp0, $4  }
0x15: {  	[tilespmem:s24+$0x19130] =	vst v0  }
0x16: {  	[tilespmem:s24+$0x19140] =	vst v0  }
0x17: {  	[tilespmem:s24+$0x19150] =	vst v0  }
0x18: {  	[tilespmem:s24+$0x19160] =	vst v0;
	s24 =	sshra.s32 s25, $0x2;
	s25 =	sadd.s32 $0x200, s25  }
0x19: {  	[tilespmem:s24+$0x19170] =	vst v0  }
0x1a: {  	[tilespmem:s24+$0x19100] =	vst v0  }
0x1b: {  	[tilespmem:s24+$0x19110] =	vst v0  }
0x1c: {  	[tilespmem:s24+$0x19120] =	vst v0  }
0x1d: {  	[tilespmem:s24+$0x19130] =	vst v0  }
0x1e: {  	[tilespmem:s24+$0x19140] =	vst v0  }
0x1f: {  	[tilespmem:s24+$0x19150] =	vst v0  }
0x20: {  	[tilespmem:s24+$0x19160] =	vst v0  }
0x21: {  	[spmem:s8] =	stream.linear.scatter [tilespmem:s16], [sflag:$0x2], $0x4000, $0x38;
	[tilespmem:$0x1D100] =	vst v63  }
0x22: {  	_ =	swait.ge [sflag:s17], $0x4000  }
0x23: {  	[sflag:s17] =	ssyncset.done $0x0  }
0x24: {  	[sflag:s17] =	ssyncadd.s32 $0xFFFFC000  }
0x25: {  	[spmem:s9] =	stream.linear.scatter [tilespmem:s16], [sflag:$0x2], $0x4000, $0x38;
	[tilespmem:$0x1D100] =	vst v63  }
0x26: {  	_ =	swait.ge [sflag:s17], $0x4000  }
0x27: {  	[sflag:s17] =	ssyncset.done $0x0  }
0x28: {  	[sflag:s17] =	ssyncadd.s32 $0xFFFFC000  }
0x29: {  	[spmem:s10] =	stream.linear.scatter [tilespmem:s16], [sflag:$0x2], $0x4000, $0x38;
	[tilespmem:$0x1D100] =	vst v63  }
0x2a: {  	_ =	swait.ge [sflag:s17], $0x4000  }
0x2b: {  	[sflag:s17] =	ssyncset.done $0x0  }
0x2c: {  	[sflag:s17] =	ssyncadd.s32 $0xFFFFC000  }
0x2d: {  	[spmem:s11] =	stream.linear.scatter [tilespmem:s16], [sflag:$0x2], $0x4000, $0x38;
	[tilespmem:$0x1D100] =	vst v63  }
0x2e: {  	_ =	swait.ge [sflag:s17], $0x4000  }
0x2f: {  	[sflag:s17] =	ssyncset.done $0x0  }
0x30: {  	[sflag:s17] =	ssyncadd.s32 $0xFFFFC000  }
0x31: {  	[spmem:s12] =	stream.linear.scatter [tilespmem:s16], [sflag:$0x2], $0x4000, $0x38;
	[tilespmem:$0x1D100] =	vst v63  }
0x32: {  	_ =	swait.ge [sflag:s17], $0x4000  }
0x33: {  	[sflag:s17] =	ssyncset.done $0x0  }
0x34: {  	[sflag:s17] =	ssyncadd.s32 $0xFFFFC000  }
0x35: {  	s24 =	simm.s32 $0x0;
	s25 =	simm.s32 $0x0;
	[bflag:$0x0] =	sbarrier.arrive $0xFFFF  }
.LBB2_4:
0x36: {  	s26 =	smul.u32 $0x50, s25;
	_ =	sdelay $0x1  }
0x37: {  	s26 =	sadd.s32 s13, s26  }
0x38: {  	s28 =	sshrl.u32 s26, $0x3  }
0x39: {  	s29 =	sadd.s32 s6, s28  }
0x3a: {  	[tilespmem:s18], [sflag:$0x2] =	stream.linear.gather [hbm4b:s29+s24], $0x50, $0x38;
	[tilespmem:$0x1D100] =	vst v63  }
0x3b: {  	_ =	swait.ge [sflag:s17], $0x50  }
0x3c: {  	[sflag:s17] =	ssyncset.done $0x0  }
0x3d: {  	s28 =	sadd.s32 s7, s28;
	[sflag:s17] =	ssyncadd.s32 $0xFFFFFFB0  }
0x3e: {  	[tilespmem:s19], [sflag:$0x2] =	stream.linear.gather [hbm4b:s28+s24], $0x50, $0x38;
	[tilespmem:$0x1D100] =	vst v63  }
0x3f: {  	_ =	swait.ge [sflag:s17], $0x50  }
0x40: {  	[sflag:s17] =	ssyncset.done $0x0  }
0x41: {  	s26 =	sshll.u32 s26, $0x4;
	[sflag:s17] =	ssyncadd.s32 $0xFFFFFFB0  }
0x42: {  	[tilespmem:s21], [sflag:$0x1] =	stream.indirect.gather [hbm4b:s4+s20], $0x80, s18, s20, $0xb8;
	[tilespmem:$0x1D100] =	vst v63  }
0x43: {  	s26 =	sadd.s32 s5, s26  }
0x44: {  	[tilespmem:s22], [sflag:$0x2] =	stream.linear.gather [hbm4b:s26+s24], $0x2800, $0x38;
	[tilespmem:$0x1D100] =	vst v63  }
0x45: {  	_ =	swait.ge [sflag:s17], $0x2800  }
0x46: {  	[sflag:s17] =	ssyncset.done $0x0  }
0x47: {  	[sflag:s17] =	ssyncadd.s32 $0xFFFFD800  }
0x48: {  	_ =	swait.ge [sflag:s23], $0x2800  }
0x49: {  	[sflag:s23] =	ssyncset.done $0x0  }
0x4a: {  	s26 =	simm.s32 $0x0;
	[sflag:s23] =	ssyncadd.s32 $0xFFFFD800  }
0x4b: {  	v7 =	vld [tilespmem:s26+$0x14100]  }
0x4c: {  	v12 =	vld [tilespmem:s26+$0x14110]  }
0x4d: {  	v6 =	vld [tilespmem:s26+$0x14120]  }
0x4e: {  	v5 =	vld [tilespmem:s26+$0x14130]  }
0x4f: {  	v4 =	vld [tilespmem:s26+$0x14140]  }
0x50: {  	v3 =	vld [tilespmem:s26+$0x14150]  }
0x51: {  	v2 =	vld [tilespmem:s26+$0x14160]  }
0x52: {  	v1 =	vld [tilespmem:s26+$0x14170]  }
0x53: {  	v13 =	vld [tilespmem:s26+$0x16900]  }
0x54: {  	v14 =	vld [tilespmem:s26+$0x16910]  }
0x55: {  	v11 =	vld [tilespmem:s26+$0x16920]  }
0x56: {  	v10 =	vld [tilespmem:s26+$0x16930]  }
0x57: {  	v9 =	vld [tilespmem:s26+$0x16940]  }
0x58: {  	v8 =	vld [tilespmem:s26+$0x16950];
	v13 =	vadd.f32 v13, v7  }
0x59: {  	s28 =	simm.s32 $0x200;
	v12 =	vadd.f32 v14, v12;
	v7 =	vld [tilespmem:s26+$0x16960]  }
.LBB2_5:
0x5a: {  	s29 =	sshra.s32 s28, $0x2;
	p0 =	sne.s32 s28, $0x9E00;
	v13 =	vmax.f32 v13, $0.0e+00;
	v6 =	vadd.f32 v11, v6;
	v11 =	vld [tilespmem:s26+$0x16970]  }
0x5b: {  	v14 =	vld [tilespmem:s29+$0x14100];
	[tilespmem:s26+$0x16900] =	vst v13;
	v12 =	vmax.f32 v12, $0.0e+00;
	v5 =	vadd.f32 v10, v5  }
0x5c: {  	v15 =	vld [tilespmem:s29+$0x14110];
	[tilespmem:s26+$0x16910] =	vst v12;
	v10 =	vmax.f32 v6, $0.0e+00;
	v4 =	vadd.f32 v9, v4  }
0x5d: {  	v6 =	vld [tilespmem:s29+$0x14120];
	[tilespmem:s26+$0x16920] =	vst v10;
	v9 =	vmax.f32 v5, $0.0e+00;
	v3 =	vadd.f32 v8, v3  }
0x5e: {  	v5 =	vld [tilespmem:s29+$0x14130];
	[tilespmem:s26+$0x16930] =	vst v9;
	v8 =	vmax.f32 v4, $0.0e+00;
	v2 =	vadd.f32 v7, v2  }
0x5f: {  	v4 =	vld [tilespmem:s29+$0x14140];
	[tilespmem:s26+$0x16940] =	vst v8;
	v7 =	vmax.f32 v3, $0.0e+00;
	v1 =	vadd.f32 v11, v1  }
0x60: {  	v3 =	vld [tilespmem:s29+$0x14150];
	[tilespmem:s26+$0x16950] =	vst v7;
	v7 =	vmax.f32 v2, $0.0e+00  }
0x61: {  	v2 =	vld [tilespmem:s29+$0x14160];
	[tilespmem:s26+$0x16960] =	vst v7;
	v7 =	vmax.f32 v1, $0.0e+00  }
0x62: {  	v1 =	vld [tilespmem:s29+$0x14170];
	[tilespmem:s26+$0x16970] =	vst v7;
	s26 =	smov.u32 s29  }
0x63: {  	v7 =	vld [tilespmem:s26+$0x16900]  }
0x64: {  	v12 =	vld [tilespmem:s26+$0x16910]  }
.Ltmp1:
0x65: {  	v11 =	vld [tilespmem:s26+$0x16920];
	(pc) =	sbr.rel @p0 .LBB2_5-.Ltmp1, $4  }
0x66: {  	v10 =	vld [tilespmem:s26+$0x16930]  }
0x67: {  	v9 =	vld [tilespmem:s26+$0x16940]  }
0x68: {  	v13 =	vadd.f32 v7, v14;
	v8 =	vld [tilespmem:s26+$0x16950]  }
0x69: {  	s28 =	sadd.s32 $0x200, s28;
	v12 =	vadd.f32 v12, v15;
	v7 =	vld [tilespmem:s26+$0x16960]  }
0x6a: {  	v13 =	vmax.f32 v13, $0.0e+00;
	v6 =	vadd.f32 v11, v6;
	v63 =	vld [tilespmem:s26+$0x16970]  }
0x6b: {  	[tilespmem:s26+$0x16900] =	vst v13;
	v12 =	vmax.f32 v12, $0.0e+00;
	v5 =	vadd.f32 v10, v5  }
0x6c: {  	[tilespmem:s26+$0x16910] =	vst v12;
	v6 =	vmax.f32 v6, $0.0e+00;
	v4 =	vadd.f32 v9, v4  }
0x6d: {  	[tilespmem:s26+$0x16920] =	vst v6;
	v5 =	vmax.f32 v5, $0.0e+00;
	v3 =	vadd.f32 v8, v3  }
0x6e: {  	[tilespmem:s26+$0x16930] =	vst v5;
	v4 =	vmax.f32 v4, $0.0e+00;
	v2 =	vadd.f32 v7, v2  }
0x6f: {  	[tilespmem:s26+$0x16940] =	vst v4;
	v3 =	vmax.f32 v3, $0.0e+00;
	v1 =	vadd.f32 v63, v1  }
0x70: {  	s25 =	sadd.s32 $0x1, s25;
	[tilespmem:s26+$0x16950] =	vst v3;
	v2 =	vmax.f32 v2, $0.0e+00  }
0x71: {  	p0 =	sne.s32 s25, $0x7D;
	[tilespmem:s26+$0x16960] =	vst v2;
	v1 =	vmax.f32 v1, $0.0e+00  }
.Ltmp2:
0x72: {  	[tilespmem:s26+$0x16970] =	vst v1;
	(pc) =	sbr.rel @p0 .LBB2_4-.Ltmp2, $4  }
0x73: {  	[spmem:s1] =	stream.indirect.scatter.add.f32 [tilespmem:s22], [sflag:$0x2], $0x80, s19, s20, $0xb8;
	[tilespmem:$0x1D100] =	vst v63  }
0x74: {  	_ =	swait.ge [sflag:s17], $0x2800  }
0x75: {  	[sflag:s17] =	ssyncset.done $0x0  }
0x76: {  	[sflag:s17] =	ssyncadd.s32 $0xFFFFD800  }
0x77: {  	s3 =	sadd.s32 $0x1, s3  }
0x78: {  	s24 =	sshll.u32 s2, $0x6;
	[bflag:$0x0] =	sbarrier.arrive $0xFFFF;
	p0 =	sne.s32 s3, s15  }
.Ltmp3:
0x79: {  	s25 =	sshrl.u32 s8, $0x3;
	s24 =	sor.u32 $0x1C02, s24;
	(pc) =	sbr.rel @p0 .LBB2_1-.Ltmp3, $4  }
0x7a: {  	[hbm:s14], [sflag:s24] =	dma.local [spmem:s25], $0x2800  }
0x7b: {  	_ =	swait.ge [sflag:s17], $0x2800  }
0x7c: {  	[sflag:s17] =	ssyncset.done $0x0  }
0x7d: {  	[sflag:s17] =	ssyncadd.s32 $0xFFFFD800  }
0x7e: {  	_ =	sfence.sel $0x180000  }
0x7f: {  	[bflag:$0x0] =	sbarrier.arrive $0xFFFF  }
0x80: {  	p0 =	sne.s32 s2, $0x0;
	_ =	strace $0x9000004A  }
0x81: {  	s0 =	sadd.s32 @!p0 $0x100000, s0;
	[bflag:$0x2] =	sbarrier.arrive $0xFFFF  }
0x82: {  	[sflag:s0] =	ssyncadd.tile.s32 @!p0 $0x1;
	_ =	shalt  }
.Lfunc_end2:
_tile_overlayer_lowered:
.L_overlay_start_2:
0x83: {  	(tag) =	ssettag $0x2  }
0x84: {  	s0 =	rddreg [dreg:$0x0];
	s2 =	stileid.u32  }
0x85: {  	s1 =	rddreg [dreg:$0x1];
	p0 =	sne.s32 s2, $0x0  }
0x86: {  	s3 =	rddreg [dreg:$0x2];
	[bflag:$0x3] =	sbarrier.arrive $0xFFFF;
	s2 =	simm.s32 @!p0 $0x1C02  }
0x87: {  	[timem:s3], [sflag:s2] =	dma.local @!p0 [hbm:s0], s1  }
0x88: {  	s0 =	simm.s32 @!p0 $0x2  }
0x89: {  	_ =	swait.ge @!p0 [sflag:s0], s1  }
0x8a: {  	s1 =	ssub.s32 @!p0 $0x0, s1;
	[sflag:s0] =	ssyncset.done @!p0 $0x0  }
0x8b: {  	[sflag:s0] =	ssyncadd.s32 @!p0 s1  }
0x8c: {  	[bflag:$0x3] =	sbarrier.arrive $0xFFFF  }
0x8d: {  	_ =	shalt  }

// kernel: kernel.18.cloned.1.call-start
scs
__scs_entry_jumppad:
0x0: {  	(pc) =	sbr.rel $0x88, $3  }
0x1: {  	(tag) =	ssettag $0x0;
	lr =	simm.s32 $0x1  }
0x2: {  	[smem:$0x3F8D] =	sst lr;
	_ =	strace $0xD0000000  }
0x3: {  	_ = 	snop  }
0x4: {  	_ = 	snop  }
0x5: {  	_ = 	snop  }
0x6: {  	_ = 	snop  }
0x7: {  	_ = 	snop  }
__scs_overlays_trampoline_lowered:
0x8: {  	[smem:$0x3F9C] =	sst s0  }
0x9: {  	[smem:$0x3F9D] =	sst s1  }
0xa: {  	[smem:$0x3F9E] =	sst s2  }
0xb: {  	[smem:$0x3F9F] =	sst s3  }
0xc: {  	[smem:$0x3FA0] =	sst s4  }
0xd: {  	[smem:$0x3FA1] =	sst s5  }
0xe: {  	[smem:$0x3FA2] =	sst s6  }
0xf: {  	[smem:$0x3FA3] =	sst s7  }
0x10: {  	[smem:$0x3FA4] =	sst s8  }
0x11: {  	[smem:$0x3FA5] =	sst s9;
	s0 =	simm.s32 @!p0 $0x0  }
0x12: {  	s1 =	sld [smem:$0x3F8B];
	s0 =	simm.s32 @p0 $0x1  }
0x13: {  	[smem:$0x3FA6] =	sst s0;
	s0 =	simm.s32 @!p1 $0x0  }
0x14: {  	s2 =	sld [smem:$0x3F8A];
	s0 =	simm.s32 @p1 $0x1  }
0x15: {  	[smem:$0x3FA7] =	sst s0;
	s0 =	simm.s32 @!p2 $0x0  }
0x16: {  	s3 =	sld [smem:$0x3FDB];
	s0 =	simm.s32 @p2 $0x1  }
0x17: {  	s4 =	simm.s32 $0x1BF5;
	[smem:$0x3FA9] =	sst s0  }
0x18: {  	s0 =	sld [smem:$0x3F8C];
	_ =	swait.ge [sflag:s4], $0x0  }
0x19: {  	s7 =	sld [smem:$0x3F8D]  }
0x1a: {  	s8 =	sadd.s32 $0xFFFFE003, lr  }
0x1b: {  	s9 =	sadd.s32 $0xFFFFFEF7, lr;
	s5 =	simm.s32 $0xFFFFFFFF;
	p2 =	slt.u32 s8, $0xFFFFF086  }
0x1c: {  	p1 =	slt.u32 s9, $0xF7A;
	s5 =	simm.s32 @!p2 $0x0  }
0x1d: {  	s5 =	simm.s32 @p1 $0x1;
	p0 =	seq.s32 s7, s2  }
0x1e: {  	s7 =	smul.u32 @!p0 $0xF7A, s2;
	p2 =	seq.s32 @!p0 s5, $0x0  }
0x1f: {  	s9 =	smul.u32 $0xF7A, s1;
	s8 =	simm.s32 @!p0 $0x1BF5;
	p2 =	por !p2, p0  }
0x20: {  	[sflag:s8] =	ssyncset.s32 @!p0 $0xFFFFF086;
	s6 =	sadd.s32 @!p0 s3, s7;
	s7 =	simm.s32 @!p0 $0x108  }
0x21: {  	s3 =	sadd.s32 s3, s9;
	s6 =	sadd.s32 @!p0 $0x88, s6;
	s7 =	simm.s32 @p2 $0x1082  }
0x22: {  	[simem:s7], [sflag:s8] =	dma.local @!p0 [hbm:s6], $0xF7A  }
0x23: {  	s9 =	sor.u32 $0xD0000000, s2;
	s6 =	simm.s32 $0x108;
	_ =	swait.ge @!p0 [sflag:s8], $0x0  }
0x24: {  	s3 =	sadd.s32 $0x88, s3;
	s6 =	simm.s32 @!p1 $0x1082;
	[sflag:s4] =	ssyncset.s32 $0xFFFFF086  }
0x25: {  	[simem:s6], [sflag:s4] =	dma.local [hbm:s3], $0xF7A  }
0x26: {  	[smem:$0x3F8D] =	sst s1;
	(tag) =	ssettag s2;
	_ =	strace s9  }
0x27: {  	s1 =	sld [smem:$0x3F9D]  }
0x28: {  	s2 =	sld [smem:$0x3F9E]  }
0x29: {  	s4 =	sld [smem:$0x3FA0]  }
0x2a: {  	p0 =	seq.s32 s5, $0x0;
	s5 =	sld [smem:$0x3FA1]  }
0x2b: {  	s6 =	sld [smem:$0x3FA2]  }
0x2c: {  	s7 =	sld [smem:$0x3FA3]  }
0x2d: {  	s3 =	simm.s32 $0x108;
	s8 =	sld [smem:$0x3FA4]  }
0x2e: {  	s3 =	simm.s32 @!p0 $0x1082;
	s9 =	sld [smem:$0x3FA5]  }
0x2f: {  	lr =	sadd.s32 s0, s3;
	s0 =	sld [smem:$0x3F9C]  }
0x30: {  	s3 =	sld [smem:$0x3F9F]  }
0x31: {  	[smem:$0x3FA8] =	sst s10  }
0x32: {  	s10 =	sld [smem:$0x3FA6];
	_ =	sdelay $0x3  }
0x33: {  	p0 =	seq.s32 s10, $0x1;
	s10 =	sld [smem:$0x3FA8];
	_ =	sdelay $0x3  }
0x34: {  	[smem:$0x3FA8] =	sst s10  }
0x35: {  	s10 =	sld [smem:$0x3FA7];
	_ =	sdelay $0x3  }
0x36: {  	p1 =	seq.s32 s10, $0x1;
	s10 =	sld [smem:$0x3FA8];
	_ =	sdelay $0x3  }
0x37: {  	[smem:$0x3FA8] =	sst s10  }
0x38: {  	s10 =	sld [smem:$0x3FA9]  }
0x39: {  	_ = 	snop;
	(pc) =	sbr.ind lr, $3  }
0x3a: {  	_ = 	snop  }
0x3b: {  	_ = 	snop  }
0x3c: {  	p2 =	seq.s32 s10, $0x1;
	s10 =	sld [smem:$0x3FA8]  }
0x3d: {  	_ =	shalt  }
0x3e: {  	_ =	shalt  }
0x3f: {  	_ =	shalt  }
0x40: {  	_ =	shalt  }
0x41: {  	_ =	shalt  }
0x42: {  	_ =	shalt  }
0x43: {  	_ =	shalt  }
0x44: {  	_ =	shalt  }
0x45: {  	_ =	shalt  }
0x46: {  	_ =	shalt  }
0x47: {  	_ =	shalt  }
0x48: {  	_ =	shalt  }
0x49: {  	_ =	shalt  }
0x4a: {  	_ =	shalt  }
0x4b: {  	_ =	shalt  }
0x4c: {  	_ =	shalt  }
0x4d: {  	_ =	shalt  }
0x4e: {  	_ =	shalt  }
0x4f: {  	_ =	shalt  }
0x50: {  	_ =	shalt  }
0x51: {  	_ =	shalt  }
0x52: {  	_ =	shalt  }
0x53: {  	_ =	shalt  }
0x54: {  	_ =	shalt  }
0x55: {  	_ =	shalt  }
0x56: {  	_ =	shalt  }
0x57: {  	_ =	shalt  }
0x58: {  	_ =	shalt  }
0x59: {  	_ =	shalt  }
0x5a: {  	_ =	shalt  }
0x5b: {  	_ =	shalt  }
0x5c: {  	_ =	shalt  }
0x5d: {  	_ =	shalt  }
0x5e: {  	_ =	shalt  }
0x5f: {  	_ =	shalt  }
0x60: {  	_ =	shalt  }
0x61: {  	_ =	shalt  }
0x62: {  	_ =	shalt  }
0x63: {  	_ =	shalt  }
0x64: {  	_ =	shalt  }
0x65: {  	_ =	shalt  }
0x66: {  	_ =	shalt  }
0x67: {  	_ =	shalt  }
0x68: {  	_ =	shalt  }
0x69: {  	_ =	shalt  }
0x6a: {  	_ =	shalt  }
0x6b: {  	_ =	shalt  }
0x6c: {  	_ =	shalt  }
0x6d: {  	_ =	shalt  }
0x6e: {  	_ =	shalt  }
0x6f: {  	_ =	shalt  }
0x70: {  	_ =	shalt  }
0x71: {  	_ =	shalt  }
0x72: {  	_ =	shalt  }
0x73: {  	_ =	shalt  }
0x74: {  	_ =	shalt  }
0x75: {  	_ =	shalt  }
0x76: {  	_ =	shalt  }
0x77: {  	_ =	shalt  }
0x78: {  	_ =	shalt  }
0x79: {  	_ =	shalt  }
0x7a: {  	_ =	shalt  }
0x7b: {  	_ =	shalt  }
0x7c: {  	_ =	shalt  }
0x7d: {  	_ =	shalt  }
0x7e: {  	_ =	shalt  }
0x7f: {  	_ =	shalt  }
0x80: {  	_ =	shalt  }
0x81: {  	_ =	shalt  }
0x82: {  	_ =	shalt  }
0x83: {  	_ =	shalt  }
0x84: {  	_ =	shalt  }
0x85: {  	_ =	shalt  }
0x86: {  	_ =	shalt  }
0x87: {  	_ =	shalt  }
.Lfunc_end0:
.L_simem_size_0:
called_computation.2_lowered:
.L_overlay_start_0:
0x88: {  	s2 =	sld [smem:$0x3FD9]  }
0x89: {  	s3 =	sld [smem:$0x3FFE];
	_ =	sdelay $0x1  }
0x8a: {  	s1 =	srdreg.scid  }
0x8b: {  	s0 =	sand.u32 $0x1, s1  }
0x8c: {  	s16 =	sshll.u32 s0, $0xA;
	s2 =	sadd.s32 s3, s2  }
0x8d: {  	s2 =	sadd.s32 s2, s16  }
0x8e: {  	[smem:$0x3FB4] =	sst s2  }
0x8f: {  	_ = 	snop  }
0x90: {  	(tm) =	ssettm $0x1  }
0x91: {  	s17 =	sld [smem:$0x3FFB];
	_ =	sdelay $0x3  }
0x92: {  	_ =	strace s17  }
0x93: {  	s2 =	sld [smem:$0x3FFC];
	_ =	sdelay $0x3  }
0x94: {  	_ =	strace s2  }
0x95: {  	s2 =	sld [smem:$0x3FFD];
	_ =	sdelay $0x3  }
0x96: {  	_ =	strace s2  }
0x97: {  	_ =	strace $0x8FFFFFFF  }
0x98: {  	s18 =	sld [smem:$0x3FDB];
	_ =	sdelay $0x1  }
0x99: {  	s19 =	simm.s32 $_scs_section_size  }
0x9a: {  	s4 =	simm.s32 $_size__tile_overlayer_lowered;
	s5 =	simm.s32 $_tile_overlayer_lowered  }
0x9b: {  	s22 =	simm.s32 $0x1BFF;
	s21 =	sshll.u32 s5, $0x1;
	s2 =	sadd.s32 s19, s18  }
0x9c: {  	s6 =	simm.s32 $0x0;
	s20 =	sshll.u32 s4, $0x1;
	s4 =	sadd.s32 s21, s2  }
0x9d: {  	[timem:s6], [sflag:s22] =	dma.local [hbm:s4], s20  }
0x9e: {  	_ =	swait.ge [sflag:s22], s20  }
0x9f: {  	s3 =	ssub.s32 $0x0, s20;
	[sflag:s22] =	ssyncset.done $0x0  }
0xa0: {  	[sflag:s22] =	ssyncadd.s32 s3;
	_ =	sdelay $0x1  }
0xa1: {  	s23 =	simm.s32 $0x1B8B  }
0xa2: {  	_ =	swait.ge [sflag:s23], $0x1  }
0xa3: {  	[sflag:s23] =	ssyncset.done $0x0  }
0xa4: {  	s25 =	simm.s32 $0x1B8E;
	s24 =	sld [smem:$0x3FFE];
	[sflag:s23] =	ssyncadd.s32 $0xFFFFFFFF  }
0xa5: {  	s26 =	simm.s32 $execute0_lowered;
	[smem:$0x3FD2] =	sst s25  }
0xa6: {  	s4 =	sshll.u32 s26, $0x1;
	_ =	strace $0x8000004C;
	[dreg:$0x1] =	wrdreg $0xFFFFFFFF  }
0xa7: {  	s28 =	simm.s32 $_size_execute0_lowered;
	s2 =	sadd.s32 s2, s4;
	[dreg:$0x0] =	wrdreg $0x0  }
0xa8: {  	s4 =	sshll.u32 s28, $0x1;
	[dreg:$0x2] =	wrdreg s2  }
0xa9: {  	[dreg:$0x3] =	wrdreg s4  }
0xaa: {  	[dreg:$0x4] =	wrdreg $0xC0  }
0xab: {  	_ =	task [dreg:s6], $0x5FFFF  }
0xac: {  	[dreg:$0x1] =	wrdreg $0xFFFFFFFF  }
0xad: {  	[dreg:$0x0] =	wrdreg $0x60  }
0xae: {  	[dreg:$0x2] =	wrdreg s24  }
0xaf: {  	[dreg:$0x3] =	wrdreg $0x0  }
0xb0: {  	[dreg:$0x4] =	wrdreg $0x9  }
0xb1: {  	_ =	task.clear_ibuf [dreg:s6], $0x5FFFF;
	_ =	strace $0x9000004C  }
0xb2: {  	s29 =	simm.s32 $0x9;
	_ =	strace $0x8000004E  }
0xb3: {  	_ =	swait.ge [sflag:s29], $0x1  }
0xb4: {  	[sflag:s29] =	ssyncadd.s32 $0xFFFFFFFF  }
0xb5: {  	_ =	strace $0x9000004E  }
0xb6: {  	_ =	sfence  }
0xb7: {  	s30 =	sld [smem:$0x0];
	_ =	sdelay $0x2  }
0xb8: {  	s31 =	sshll.u32 s1, $0xD;
	s1 =	sshrl.u32 s1, $0x2  }
0xb9: {  	s3 =	sand.u32 $0x4000, s31;
	s1 =	sadd.s32 s1, s30  }
0xba: {  	s0 =	sor.u32 s3, s0;
	s1 =	sshll.u32 s1, $0x11  }
0xbb: {  	s0 =	sor.u32 s1, s0  }
0xbc: {  	s0 =	sadd.s32 $0x8F2B, s0  }
0xbd: {  	[sflag:s0] =	ssyncadd.remote.s32 $0x1  }
0xbe: {  	_ =	sfence.sel $0xFFFF  }
0xbf: {  	[dreg:$0x0] =	wrdreg $0xFFFFFFFF;
	(pc) =	sbr.abs _section_cstart, $3  }
0xc0: {  	[dreg:$0x1] =	wrdreg $0xFFFFFFFF  }
0xc1: {  	_ =	task.clear_ibuf [dreg:s6], $0x2FFFF;
	_ =	strace $0x9FFFFFFF  }
0xc2: {  	(tm) =	ssettm $0x7FFFFFFF  }
0xc3: {  	_ =	shalt  }
tec
execute0_lowered:
.L_overlay_start_1:
0x0: {  	(tag) =	ssettag $0x1  }
0x1: {  	s8 =	rddreg [dreg:$0x0]  }
0x2: {  	s1 =	rddreg [dreg:$0x1]  }
0x3: {  	s2 =	srdreg.scid;
	s0 =	rddreg [dreg:$0x2];
	s3 =	simm.s32 $0x0  }
0x4: {  	s16 =	simm.s32 $0x19100;
	s17 =	simm.s32 $0x2;
	s18 =	simm.s32 $0x14000  }
0x5: {  	s19 =	simm.s32 $0x14080;
	s20 =	simm.s32 $0x50;
	s21 =	simm.s32 $0x14100  }
0x6: {  	s22 =	simm.s32 $0x16900;
	s9 =	sand.u32 $0x1, s2;
	s2 =	stileid.u32  }
0x7: {  	s23 =	simm.s32 $0x1;
	[smem:$0x7FF] =	sst s3;
	s6 =	smul.u32 $0x140000, s9  }
0x8: {  	s4 =	sadd.s32 $0x17000, s8;
	s5 =	sadd.s32 $0xF0D000, s8;
	s7 =	smul.u32 $0x14000, s2  }
0x9: {  	s11 =	smul.u32 $0x50000, s2;
	s30 =	ssub.s32 $0x2, s9;
	s9 =	sshll.u32 s9, $0x4  }
0xa: {  	_ =	strace $0x8000004D;
	s31 =	sshrl.u32 s30, $0x1;
	s13 =	sor.u32 s2, s9  }
0xb: {  	s7 =	sadd.s32 s7, s6;
	s6 =	sadd.s32 $0xD200, s8;
	s11 =	sshrl.u32 s11, $0x2  }
0xc: {  	s15 =	ssub.s32 s30, s31;
	s13 =	smul.u32 $0x2710, s13;
	s10 =	sshrl.u32 s7, $0x3  }
0xd: {  	s7 =	sadd.s32 $0x3400, s8;
	s14 =	sadd.s32 s10, s8;
	s8 =	sadd.s32 s11, s1  }
0xe: {  	s15 =	smax.u32 s15, $0x1;
	s9 =	sadd.s32 $0x4000, s8;
	s10 =	sadd.s32 $0x8000, s8  }
0xf: {  	v0 =	vimm.f32 $0.0e+00;
	s11 =	sadd.s32 $0xC000, s8;
	s12 =	sadd.s32 $0x10000, s8;
	s14 =	sadd.s32 $0x3E200, s14  }
.LBB2_1:
0x10: {  	s24 =	simm.s32 $0x0;
	s25 =	simm.s32 $0x200  }
.LBB2_2:
0x11: {  	p0 =	sne.s32 s25, $0xFE00;
	[tilespmem:s24+$0x19170] =	vst v0  }
0x12: {  	[tilespmem:s24+$0x19100] =	vst v0  }
0x13: {  	[tilespmem:s24+$0x19110] =	vst v0  }
.Ltmp0:
0x14: {  	[tilespmem:s24+$0x19120] =	vst v0;
	(pc) =	sbr.rel @p0 .LBB2_2-.Ltmp0, $4  }
0x15: {  	[tilespmem:s24+$0x19130] =	vst v0  }
0x16: {  	[tilespmem:s24+$0x19140] =	vst v0  }
0x17: {  	[tilespmem:s24+$0x19150] =	vst v0  }
0x18: {  	[tilespmem:s24+$0x19160] =	vst v0;
	s24 =	sshra.s32 s25, $0x2;
	s25 =	sadd.s32 $0x200, s25  }
0x19: {  	[tilespmem:s24+$0x19170] =	vst v0  }
0x1a: {  	[tilespmem:s24+$0x19100] =	vst v0  }
0x1b: {  	[tilespmem:s24+$0x19110] =	vst v0  }
0x1c: {  	[tilespmem:s24+$0x19120] =	vst v0  }
0x1d: {  	[tilespmem:s24+$0x19130] =	vst v0  }
0x1e: {  	[tilespmem:s24+$0x19140] =	vst v0  }
0x1f: {  	[tilespmem:s24+$0x19150] =	vst v0  }
0x20: {  	[tilespmem:s24+$0x19160] =	vst v0  }
0x21: {  	[spmem:s8] =	stream.linear.scatter [tilespmem:s16], [sflag:$0x2], $0x4000, $0x38;
	[tilespmem:$0x1D100] =	vst v63  }
0x22: {  	_ =	swait.ge [sflag:s17], $0x4000  }
0x23: {  	[sflag:s17] =	ssyncset.done $0x0  }
0x24: {  	[sflag:s17] =	ssyncadd.s32 $0xFFFFC000  }
0x25: {  	[spmem:s9] =	stream.linear.scatter [tilespmem:s16], [sflag:$0x2], $0x4000, $0x38;
	[tilespmem:$0x1D100] =	vst v63  }
0x26: {  	_ =	swait.ge [sflag:s17], $0x4000  }
0x27: {  	[sflag:s17] =	ssyncset.done $0x0  }
0x28: {  	[sflag:s17] =	ssyncadd.s32 $0xFFFFC000  }
0x29: {  	[spmem:s10] =	stream.linear.scatter [tilespmem:s16], [sflag:$0x2], $0x4000, $0x38;
	[tilespmem:$0x1D100] =	vst v63  }
0x2a: {  	_ =	swait.ge [sflag:s17], $0x4000  }
0x2b: {  	[sflag:s17] =	ssyncset.done $0x0  }
0x2c: {  	[sflag:s17] =	ssyncadd.s32 $0xFFFFC000  }
0x2d: {  	[spmem:s11] =	stream.linear.scatter [tilespmem:s16], [sflag:$0x2], $0x4000, $0x38;
	[tilespmem:$0x1D100] =	vst v63  }
0x2e: {  	_ =	swait.ge [sflag:s17], $0x4000  }
0x2f: {  	[sflag:s17] =	ssyncset.done $0x0  }
0x30: {  	[sflag:s17] =	ssyncadd.s32 $0xFFFFC000  }
0x31: {  	[spmem:s12] =	stream.linear.scatter [tilespmem:s16], [sflag:$0x2], $0x4000, $0x38;
	[tilespmem:$0x1D100] =	vst v63  }
0x32: {  	_ =	swait.ge [sflag:s17], $0x4000  }
0x33: {  	[sflag:s17] =	ssyncset.done $0x0  }
0x34: {  	[sflag:s17] =	ssyncadd.s32 $0xFFFFC000  }
0x35: {  	s24 =	simm.s32 $0x0;
	s25 =	simm.s32 $0x0;
	[bflag:$0x0] =	sbarrier.arrive $0xFFFF  }
.LBB2_4:
0x36: {  	s26 =	smul.u32 $0x50, s25;
	_ =	sdelay $0x1  }
0x37: {  	s26 =	sadd.s32 s13, s26  }
0x38: {  	s28 =	sshrl.u32 s26, $0x3  }
0x39: {  	s29 =	sadd.s32 s6, s28  }
0x3a: {  	[tilespmem:s18], [sflag:$0x2] =	stream.linear.gather [hbm4b:s29+s24], $0x50, $0x38;
	[tilespmem:$0x1D100] =	vst v63  }
0x3b: {  	_ =	swait.ge [sflag:s17], $0x50  }
0x3c: {  	[sflag:s17] =	ssyncset.done $0x0  }
0x3d: {  	s28 =	sadd.s32 s7, s28;
	[sflag:s17] =	ssyncadd.s32 $0xFFFFFFB0  }
0x3e: {  	[tilespmem:s19], [sflag:$0x2] =	stream.linear.gather [hbm4b:s28+s24], $0x50, $0x38;
	[tilespmem:$0x1D100] =	vst v63  }
0x3f: {  	_ =	swait.ge [sflag:s17], $0x50  }
0x40: {  	[sflag:s17] =	ssyncset.done $0x0  }
0x41: {  	s26 =	sshll.u32 s26, $0x4;
	[sflag:s17] =	ssyncadd.s32 $0xFFFFFFB0  }
0x42: {  	[tilespmem:s21], [sflag:$0x1] =	stream.indirect.gather [hbm4b:s4+s20], $0x80, s18, s20, $0xb8;
	[tilespmem:$0x1D100] =	vst v63  }
0x43: {  	s26 =	sadd.s32 s5, s26  }
0x44: {  	[tilespmem:s22], [sflag:$0x2] =	stream.linear.gather [hbm4b:s26+s24], $0x2800, $0x38;
	[tilespmem:$0x1D100] =	vst v63  }
0x45: {  	_ =	swait.ge [sflag:s17], $0x2800  }
0x46: {  	[sflag:s17] =	ssyncset.done $0x0  }
0x47: {  	[sflag:s17] =	ssyncadd.s32 $0xFFFFD800  }
0x48: {  	_ =	swait.ge [sflag:s23], $0x2800  }
0x49: {  	[sflag:s23] =	ssyncset.done $0x0  }
0x4a: {  	s26 =	simm.s32 $0x0;
	[sflag:s23] =	ssyncadd.s32 $0xFFFFD800  }
0x4b: {  	v7 =	vld [tilespmem:s26+$0x14100]  }
0x4c: {  	v12 =	vld [tilespmem:s26+$0x14110]  }
0x4d: {  	v6 =	vld [tilespmem:s26+$0x14120]  }
0x4e: {  	v5 =	vld [tilespmem:s26+$0x14130]  }
0x4f: {  	v4 =	vld [tilespmem:s26+$0x14140]  }
0x50: {  	v3 =	vld [tilespmem:s26+$0x14150]  }
0x51: {  	v2 =	vld [tilespmem:s26+$0x14160]  }
0x52: {  	v1 =	vld [tilespmem:s26+$0x14170]  }
0x53: {  	v13 =	vld [tilespmem:s26+$0x16900]  }
0x54: {  	v14 =	vld [tilespmem:s26+$0x16910]  }
0x55: {  	v11 =	vld [tilespmem:s26+$0x16920]  }
0x56: {  	v10 =	vld [tilespmem:s26+$0x16930]  }
0x57: {  	v9 =	vld [tilespmem:s26+$0x16940]  }
0x58: {  	v8 =	vld [tilespmem:s26+$0x16950];
	v13 =	vadd.f32 v13, v7  }
0x59: {  	s28 =	simm.s32 $0x200;
	v12 =	vadd.f32 v14, v12;
	v7 =	vld [tilespmem:s26+$0x16960]  }
.LBB2_5:
0x5a: {  	s29 =	sshra.s32 s28, $0x2;
	p0 =	sne.s32 s28, $0x9E00;
	v13 =	vmax.f32 v13, $0.0e+00;
	v6 =	vadd.f32 v11, v6;
	v11 =	vld [tilespmem:s26+$0x16970]  }
0x5b: {  	v14 =	vld [tilespmem:s29+$0x14100];
	[tilespmem:s26+$0x16900] =	vst v13;
	v12 =	vmax.f32 v12, $0.0e+00;
	v5 =	vadd.f32 v10, v5  }
0x5c: {  	v15 =	vld [tilespmem:s29+$0x14110];
	[tilespmem:s26+$0x16910] =	vst v12;
	v10 =	vmax.f32 v6, $0.0e+00;
	v4 =	vadd.f32 v9, v4  }
0x5d: {  	v6 =	vld [tilespmem:s29+$0x14120];
	[tilespmem:s26+$0x16920] =	vst v10;
	v9 =	vmax.f32 v5, $0.0e+00;
	v3 =	vadd.f32 v8, v3  }
0x5e: {  	v5 =	vld [tilespmem:s29+$0x14130];
	[tilespmem:s26+$0x16930] =	vst v9;
	v8 =	vmax.f32 v4, $0.0e+00;
	v2 =	vadd.f32 v7, v2  }
0x5f: {  	v4 =	vld [tilespmem:s29+$0x14140];
	[tilespmem:s26+$0x16940] =	vst v8;
	v7 =	vmax.f32 v3, $0.0e+00;
	v1 =	vadd.f32 v11, v1  }
0x60: {  	v3 =	vld [tilespmem:s29+$0x14150];
	[tilespmem:s26+$0x16950] =	vst v7;
	v7 =	vmax.f32 v2, $0.0e+00  }
0x61: {  	v2 =	vld [tilespmem:s29+$0x14160];
	[tilespmem:s26+$0x16960] =	vst v7;
	v7 =	vmax.f32 v1, $0.0e+00  }
0x62: {  	v1 =	vld [tilespmem:s29+$0x14170];
	[tilespmem:s26+$0x16970] =	vst v7;
	s26 =	smov.u32 s29  }
0x63: {  	v7 =	vld [tilespmem:s26+$0x16900]  }
0x64: {  	v12 =	vld [tilespmem:s26+$0x16910]  }
.Ltmp1:
0x65: {  	v11 =	vld [tilespmem:s26+$0x16920];
	(pc) =	sbr.rel @p0 .LBB2_5-.Ltmp1, $4  }
0x66: {  	v10 =	vld [tilespmem:s26+$0x16930]  }
0x67: {  	v9 =	vld [tilespmem:s26+$0x16940]  }
0x68: {  	v13 =	vadd.f32 v7, v14;
	v8 =	vld [tilespmem:s26+$0x16950]  }
0x69: {  	s28 =	sadd.s32 $0x200, s28;
	v12 =	vadd.f32 v12, v15;
	v7 =	vld [tilespmem:s26+$0x16960]  }
0x6a: {  	v13 =	vmax.f32 v13, $0.0e+00;
	v6 =	vadd.f32 v11, v6;
	v63 =	vld [tilespmem:s26+$0x16970]  }
0x6b: {  	[tilespmem:s26+$0x16900] =	vst v13;
	v12 =	vmax.f32 v12, $0.0e+00;
	v5 =	vadd.f32 v10, v5  }
0x6c: {  	[tilespmem:s26+$0x16910] =	vst v12;
	v6 =	vmax.f32 v6, $0.0e+00;
	v4 =	vadd.f32 v9, v4  }
0x6d: {  	[tilespmem:s26+$0x16920] =	vst v6;
	v5 =	vmax.f32 v5, $0.0e+00;
	v3 =	vadd.f32 v8, v3  }
0x6e: {  	[tilespmem:s26+$0x16930] =	vst v5;
	v4 =	vmax.f32 v4, $0.0e+00;
	v2 =	vadd.f32 v7, v2  }
0x6f: {  	[tilespmem:s26+$0x16940] =	vst v4;
	v3 =	vmax.f32 v3, $0.0e+00;
	v1 =	vadd.f32 v63, v1  }
0x70: {  	s25 =	sadd.s32 $0x1, s25;
	[tilespmem:s26+$0x16950] =	vst v3;
	v2 =	vmax.f32 v2, $0.0e+00  }
0x71: {  	p0 =	sne.s32 s25, $0x7D;
	[tilespmem:s26+$0x16960] =	vst v2;
	v1 =	vmax.f32 v1, $0.0e+00  }
.Ltmp2:
0x72: {  	[tilespmem:s26+$0x16970] =	vst v1;
	(pc) =	sbr.rel @p0 .LBB2_4-.Ltmp2, $4  }
0x73: {  	[spmem:s1] =	stream.indirect.scatter.add.f32 [tilespmem:s22], [sflag:$0x2], $0x80, s19, s20, $0xb8;
	[tilespmem:$0x1D100] =	vst v63  }
0x74: {  	_ =	swait.ge [sflag:s17], $0x2800  }
0x75: {  	[sflag:s17] =	ssyncset.done $0x0  }
0x76: {  	[sflag:s17] =	ssyncadd.s32 $0xFFFFD800  }
0x77: {  	s3 =	sadd.s32 $0x1, s3  }
0x78: {  	s24 =	sshll.u32 s2, $0x6;
	[bflag:$0x0] =	sbarrier.arrive $0xFFFF;
	p0 =	sne.s32 s3, s15  }
.Ltmp3:
0x79: {  	s25 =	sshrl.u32 s8, $0x3;
	s24 =	sor.u32 $0x1C02, s24;
	(pc) =	sbr.rel @p0 .LBB2_1-.Ltmp3, $4  }
0x7a: {  	[hbm:s14], [sflag:s24] =	dma.local [spmem:s25], $0x2800  }
0x7b: {  	_ =	swait.ge [sflag:s17], $0x2800  }
0x7c: {  	[sflag:s17] =	ssyncset.done $0x0  }
0x7d: {  	[sflag:s17] =	ssyncadd.s32 $0xFFFFD800  }
0x7e: {  	_ =	sfence.sel $0x180000  }
0x7f: {  	[bflag:$0x0] =	sbarrier.arrive $0xFFFF  }
0x80: {  	p0 =	sne.s32 s2, $0x0;
	_ =	strace $0x9000004D  }
0x81: {  	s0 =	sadd.s32 @!p0 $0x100000, s0;
	[bflag:$0x2] =	sbarrier.arrive $0xFFFF  }
0x82: {  	[sflag:s0] =	ssyncadd.tile.s32 @!p0 $0x1;
	_ =	shalt  }
.Lfunc_end2:
_tile_overlayer_lowered:
.L_overlay_start_2:
0x83: {  	(tag) =	ssettag $0x2  }
0x84: {  	s0 =	rddreg [dreg:$0x0];
	s2 =	stileid.u32  }
0x85: {  	s1 =	rddreg [dreg:$0x1];
	p0 =	sne.s32 s2, $0x0  }
0x86: {  	s3 =	rddreg [dreg:$0x2];
	[bflag:$0x3] =	sbarrier.arrive $0xFFFF;
	s2 =	simm.s32 @!p0 $0x1C02  }
0x87: {  	[timem:s3], [sflag:s2] =	dma.local @!p0 [hbm:s0], s1  }
0x88: {  	s0 =	simm.s32 @!p0 $0x2  }
0x89: {  	_ =	swait.ge @!p0 [sflag:s0], s1  }
0x8a: {  	s1 =	ssub.s32 @!p0 $0x0, s1;
	[sflag:s0] =	ssyncset.done @!p0 $0x0  }
0x8b: {  	[sflag:s0] =	ssyncadd.s32 @!p0 s1  }
0x8c: {  	[bflag:$0x3] =	sbarrier.arrive $0xFFFF  }
0x8d: {  	_ =	shalt  }

</sc_bundles>
